<compile_context>
chip_gen: v7x
topology: tpu7x:2x2x1
jax: 0.10.2.dev20260603
libtpu: 0.0.44.dev20260713+nightly
codegen_flags: <defaults>
</compile_context>

<pallas_src>
import functools
import jax
import jax.numpy as jnp
from jax import lax
from jax.experimental import pallas as pl
from jax.experimental.pallas import tpu as pltpu
from jax.experimental.pallas import tpu_sc as plsc

BS, C, N = 8, 128, 2048
BSH = 4
NH = BS // BSH
BLK = 2048
NB = N // BLK


def _prep_body(xt_full_ref, xt_blk_ref, w_ref, iota_ref, br_ref, i2_ref):
    bi = pl.program_id(0)
    xt = xt_full_ref[0]
    xb = xt_blk_ref[0]
    w2 = w_ref[C:, :]

    innerT = lax.dot_general(xt, xb * -2.0, (((0,), (0,)), ((), ())),
                             preferred_element_type=jnp.float32)
    sq_row = jnp.sum(xt * xt, axis=0, keepdims=True)
    sqc = sq_row.T
    score = sqc + innerT

    fiota = iota_ref[...]
    m1 = jnp.min(score, axis=0, keepdims=True)
    score2 = jnp.where(score == m1, 1e30, score)
    m2 = jnp.min(score2, axis=0, keepdims=True)
    a2f = jnp.min(jnp.where(score2 == m2, fiota, float(N)),
                  axis=0, keepdims=True)

    i2_ref[0] = a2f.astype(jnp.int32) + bi * N

    br_ref[...] = lax.dot_general(xb, w2, (((0,), (0,)), ((), ())),
                                  preferred_element_type=jnp.float32)


def _mk_prep(h):
    return pl.pallas_call(
        _prep_body,
        grid=(BSH, NB),
        in_specs=[
            pl.BlockSpec((1, C, N), lambda bi, ii, h=h: (h * BSH + bi, 0, 0)),
            pl.BlockSpec((1, C, BLK),
                         lambda bi, ii, h=h: (h * BSH + bi, 0, ii)),
            pl.BlockSpec((2 * C, C), lambda bi, ii: (0, 0)),
            pl.BlockSpec((N, 1), lambda bi, ii: (0, 0)),
        ],
        out_specs=[
            pl.BlockSpec((BLK, C), lambda bi, ii: (bi * NB + ii, 0)),
            pl.BlockSpec((1, 1, BLK), lambda bi, ii: (bi * NB + ii, 0, 0)),
        ],
        out_shape=[
            jax.ShapeDtypeStruct((BSH * N, C), jnp.float32),
            jax.ShapeDtypeStruct((BSH * NB, 1, BLK), jnp.int32),
        ],
    )


_prep_calls = [_mk_prep(h) for h in range(NH)]


def _combine_compute(xt_ref, w_ref, b2_ref, m_ref, o_ref, bo):
    xt = xt_ref[0]
    w1 = w_ref[:C, :]
    w2 = w_ref[C:, :]
    at = lax.dot_general(w1 - w2, xt, (((0,), (0,)), ((), ())),
                         preferred_element_type=jnp.float32)
    bt = lax.dot_general(w2, xt, (((0,), (0,)), ((), ())),
                         preferred_element_type=jnp.float32)
    mt = m_ref[0].T
    h = (at + b2_ref[...]) + jnp.maximum(bt, mt)
    o_ref[bo] = jnp.where(h > 0, h, 0.2 * h)


def _combine_body0(xt_ref, w_ref, b2_ref, m_ref, o_ref):
    _combine_compute(xt_ref, w_ref, b2_ref, m_ref, o_ref, 0)


def _combine_body1(acc_ref, xt_ref, w_ref, b2_ref, m_ref, o_ref):
    del acc_ref
    _combine_compute(xt_ref, w_ref, b2_ref, m_ref, o_ref, 0)


def _mk_combine(h):
    xt_spec = pl.BlockSpec((1, C, N), lambda bi, h=h: (h * BSH + bi, 0, 0))
    common = [
        xt_spec,
        pl.BlockSpec((2 * C, C), lambda bi: (0, 0)),
        pl.BlockSpec((C, 1), lambda bi: (0, 0)),
        pl.BlockSpec((1, N, C), lambda bi: (bi, 0, 0)),
    ]
    out_spec = pl.BlockSpec((1, C, N), lambda bi, h=h: (h * BSH + bi, 0, 0))
    out_shape = jax.ShapeDtypeStruct((BS, C, N), jnp.float32)
    if h == 0:
        return pl.pallas_call(
            _combine_body0, grid=(BSH,), in_specs=common,
            out_specs=out_spec, out_shape=out_shape,
        )
    return pl.pallas_call(
        _combine_body1, grid=(BSH,),
        in_specs=[pl.BlockSpec(memory_space=pl.ANY)] + common,
        out_specs=out_spec, out_shape=out_shape,
        input_output_aliases={0: 0},
    )


_combine_calls = [_mk_combine(h) for h in range(NH)]


_NC, _NS, _L = 2, 16, 16
NW = _NC * _NS
ROWS_PER_W = (BSH * N) // NW
CB = 256
NCHUNK = ROWS_PER_W // CB


@functools.cache
def _make_sc_gather():
    mesh = plsc.VectorSubcoreMesh(core_axis_name="c", subcore_axis_name="s")

    @functools.partial(
        pl.kernel,
        mesh=mesh,
        out_type=jax.ShapeDtypeStruct((BSH * N, C), jnp.float32),
        scratch_types=[
            pltpu.VMEM((CB,), jnp.int32),
            pltpu.VMEM((CB,), jnp.int32),
            pltpu.VMEM((CB, C), jnp.float32),
            pltpu.VMEM((CB, C), jnp.float32),
            pltpu.SemaphoreType.DMA,
            pltpu.SemaphoreType.DMA,
        ],
    )
    def sc_gather(br_hbm, i2_hbm, out_hbm, iva, ivb, ga, gb, sa, sb):
        wid = lax.axis_index("s") * _NC + lax.axis_index("c")
        base = wid * ROWS_PER_W
        idx_v = (iva, ivb)
        g_v = (ga, gb)
        sem = (sa, sb)
        copies = [None, None]
        pltpu.sync_copy(i2_hbm.at[pl.ds(base, CB)], iva)
        copies[0] = pltpu.async_copy(br_hbm.at[iva], ga, sa)
        for ci in range(NCHUNK):
            cur = ci % 2
            nxt = (ci + 1) % 2
            if ci + 1 < NCHUNK:
                off_n = base + (ci + 1) * CB
                pltpu.sync_copy(i2_hbm.at[pl.ds(off_n, CB)], idx_v[nxt])
                copies[nxt] = pltpu.async_copy(
                    br_hbm.at[idx_v[nxt]], g_v[nxt], sem[nxt])
            copies[cur].wait()
            pltpu.sync_copy(g_v[cur], out_hbm.at[pl.ds(base + ci * CB, CB)])

    return sc_gather


def kernel(sparse_fea, W, b):
    iota_col = jnp.arange(N, dtype=jnp.float32).reshape(N, 1)
    b2 = b.reshape(C, 1)
    sc = _make_sc_gather()
    ms = []
    for h in range(NH):
        brows, i2 = _prep_calls[h](sparse_fea, sparse_fea, W, iota_col)
        ms.append(sc(brows, i2.reshape(BSH * N)))
    out = _combine_calls[0](sparse_fea, W, b2, ms[0].reshape(BSH, N, C))
    for h in range(1, NH):
        out = _combine_calls[h](out, sparse_fea, W, b2,
                                ms[h].reshape(BSH, N, C))
    return out

# --- scband reference (transcript-rebuilt; emitter-appended) ---
"""Pipeline reference for scband-sparse-update-25383256720084 (READ-ONLY COPY).

The authoritative reference and input builder live on the scoring server;
editing this copy changes nothing except your own understanding.
"""

import jax, jax.numpy as jnp
import numpy as np

BS, C_IN, N_STK = 8, 128, 2048
C_OUT = 128
N_NEAR = 2

def setup_inputs(seed: int = 0) -> dict:
    key = jax.random.key(seed)
    k1, k2, k3 = jax.random.split(key, 3)
    sparse_fea = jax.random.normal(k1, (BS, C_IN, N_STK), dtype=jnp.float32)
    # EdgeConv-style GCN encoder params: linear over concat(x_i, x_j - x_i)
    W = jax.random.normal(k2, (2 * C_IN, C_OUT), dtype=jnp.float32) * 0.05
    b = jnp.zeros((C_OUT,), dtype=jnp.float32)
    return {"sparse_fea": sparse_fea, "W": W, "b": b}

def reference(sparse_fea, W, b):
    # sparse_fea: [bs, emb, n_stk] -> [bs, n_stk, emb]
    x = jnp.transpose(sparse_fea, (0, 2, 1))
    bs, n, c = x.shape
    # pairwise squared distances between stroke features
    sq = jnp.sum(x * x, axis=-1)                      # [bs, n]
    inner = jnp.einsum('bnc,bmc->bnm', x, x)          # [bs, n, n]
    dist = sq[:, :, None] - 2.0 * inner + sq[:, None, :]
    # n_near nearest neighbors (self included as nearest, as in DGCNN knn)
    _, idx = jax.lax.top_k(-dist, N_NEAR)             # [bs, n, k]
    batch_idx = jnp.arange(bs)[:, None, None]
    nbr = x[batch_idx, idx]                            # [bs, n, k, c] gather
    xi = jnp.broadcast_to(x[:, :, None, :], nbr.shape)
    edge = jnp.concatenate([xi, nbr - xi], axis=-1)    # [bs, n, k, 2c]
    h = edge @ W + b                                   # conv (1x1) over edges
    h = jnp.where(h > 0, h, 0.2 * h)                   # leaky relu
    out = jnp.max(h, axis=2)                           # max pool over neighbors -> one feature
    return jnp.transpose(out, (0, 2, 1))               # [bs, emb, n_stk]

if __name__ == "__main__":
    import jax
    _d = setup_inputs()
    print(jax.jit(kernel)(*tuple(_d.values())))

</pallas_src>

<mosaic_0001>
#map = affine_map<(d0, d1) -> (0, 0)>
#map1 = affine_map<(d0, d1) -> (0)>
module attributes {stable_mosaic.version = 14 : i64} {
  func.func @sc_gather(%arg0: i32, %arg1: i32, %arg2: memref<8192x128xf32, #tpu.memory_space<hbm>>, %arg3: memref<8192xi32, #tpu.memory_space<hbm>>, %arg4: memref<8192x128xf32, #tpu.memory_space<hbm>>, %arg5: memref<256xi32, #tpu.memory_space<vmem>>, %arg6: memref<256xi32, #tpu.memory_space<vmem>>, %arg7: memref<256x128xf32, #tpu.memory_space<vmem>>, %arg8: memref<256x128xf32, #tpu.memory_space<vmem>>, %arg9: memref<!tpu.dma_semaphore, #tpu.memory_space<semaphore_mem>>, %arg10: memref<!tpu.dma_semaphore, #tpu.memory_space<semaphore_mem>>) attributes {dimension_semantics = [#tpu.dimension_semantics<core_parallel>, #tpu.dimension_semantics<subcore_parallel>], iteration_bounds = array<i64: 2, 16>, scalar_prefetch = 0 : i64, scratch_operands = 6 : i64, tpu.core_type = #tpu.core_type<sc_vector_subcore>, window_params = [{transform_indices = #map}, {transform_indices = #map1}, {transform_indices = #map}]} {
    %mul3A = arith.constant 2 : i32
    %mul3A_0 = arith.muli %arg1, %mul3A : i32
    %add3A = arith.addi %mul3A_0, %arg0 : i32
    %mul3A_1 = arith.constant 256 : i32
    %mul3A_2 = arith.muli %add3A, %mul3A_1 : i32
    "tpu.region"() ({
      %run_scoped3A = tpu.sem_alloc : memref<!tpu.dma_semaphore, #tpu.memory_space<semaphore_mem>>
      %dma_start3A_9 = tpu.memref_slice %arg3[%mul3A_2] : memref<8192xi32, #tpu.memory_space<hbm>> -> memref<256xi32, #tpu.memory_space<hbm>>
      %dma_start3A_10 = tpu.memref_slice %arg3[%mul3A_2] : memref<8192xi32, #tpu.memory_space<hbm>> -> memref<256xi32, #tpu.memory_space<hbm>>
      tpu.enqueue_dma source(%dma_start3A_10 : memref<256xi32, #tpu.memory_space<hbm>>) target(%arg5 : memref<256xi32, #tpu.memory_space<vmem>>) target_semaphore(%run_scoped3A : memref<!tpu.dma_semaphore, #tpu.memory_space<semaphore_mem>>)
      %dma_wait3A_11 = tpu.memref_slice %arg3[%mul3A_2] : memref<8192xi32, #tpu.memory_space<hbm>> -> memref<256xi32, #tpu.memory_space<hbm>>
      %dma_wait3A_12 = tpu.memref_slice %arg3[%mul3A_2] : memref<8192xi32, #tpu.memory_space<hbm>> -> memref<256xi32, #tpu.memory_space<hbm>>
      tpu.wait_dma2 semaphore(%run_scoped3A : memref<!tpu.dma_semaphore, #tpu.memory_space<semaphore_mem>>) src(%dma_wait3A_12 : memref<256xi32, #tpu.memory_space<hbm>>) dst(%arg5 : memref<256xi32, #tpu.memory_space<vmem>>)
      tpu.yield
    }) : () -> ()
    %dma_start3A = arith.constant 0 : i32
    %dma_start3A_3 = arith.constant 0 : i32
    %dma_start3A_4 = tpu.memref_slice %arg2[%dma_start3A, %dma_start3A_3] : memref<8192x128xf32, #tpu.memory_space<hbm>> -> memref<8192x128xf32, #tpu.memory_space<hbm>>
    tpu.enqueue_indirect_dma source(%dma_start3A_4 : memref<8192x128xf32, #tpu.memory_space<hbm>>) target(%arg7 : memref<256x128xf32, #tpu.memory_space<vmem>>) offsets(%arg5 : memref<256xi32, #tpu.memory_space<vmem>>) semaphore(%arg9 : memref<!tpu.dma_semaphore, #tpu.memory_space<semaphore_mem>>)
    %dma_wait3A = arith.constant 0 : i32
    %dma_wait3A_5 = arith.constant 0 : i32
    %dma_wait3A_6 = tpu.memref_slice %arg2[%dma_wait3A, %dma_wait3A_5] : memref<8192x128xf32, #tpu.memory_space<hbm>> -> memref<8192x128xf32, #tpu.memory_space<hbm>>
    tpu.wait_indirect_dma semaphore(%arg9 : memref<!tpu.dma_semaphore, #tpu.memory_space<semaphore_mem>>) src(%dma_wait3A_6 : memref<8192x128xf32, #tpu.memory_space<hbm>>) dst(%arg7 : memref<256x128xf32, #tpu.memory_space<vmem>>)
    %add3A_7 = arith.constant 0 : i32
    %add3A_8 = arith.addi %mul3A_2, %add3A_7 : i32
    "tpu.region"() ({
      %run_scoped3A = tpu.sem_alloc : memref<!tpu.dma_semaphore, #tpu.memory_space<semaphore_mem>>
      %dma_start3A_9 = arith.constant 0 : i32
      %dma_start3A_10 = tpu.memref_slice %arg4[%add3A_8, %dma_start3A_9] : memref<8192x128xf32, #tpu.memory_space<hbm>> -> memref<256x128xf32, #tpu.memory_space<hbm>>
      %dma_start3A_11 = arith.constant 0 : i32
      %dma_start3A_12 = tpu.memref_slice %arg4[%add3A_8, %dma_start3A_11] : memref<8192x128xf32, #tpu.memory_space<hbm>> -> memref<256x128xf32, #tpu.memory_space<hbm>>
      tpu.enqueue_dma source(%arg7 : memref<256x128xf32, #tpu.memory_space<vmem>>) target(%dma_start3A_12 : memref<256x128xf32, #tpu.memory_space<hbm>>) target_semaphore(%run_scoped3A : memref<!tpu.dma_semaphore, #tpu.memory_space<semaphore_mem>>)
      %dma_wait3A_13 = arith.constant 0 : i32
      %dma_wait3A_14 = tpu.memref_slice %arg4[%add3A_8, %dma_wait3A_13] : memref<8192x128xf32, #tpu.memory_space<hbm>> -> memref<256x128xf32, #tpu.memory_space<hbm>>
      %dma_wait3A_15 = arith.constant 0 : i32
      %dma_wait3A_16 = tpu.memref_slice %arg4[%add3A_8, %dma_wait3A_15] : memref<8192x128xf32, #tpu.memory_space<hbm>> -> memref<256x128xf32, #tpu.memory_space<hbm>>
      tpu.wait_dma2 semaphore(%run_scoped3A : memref<!tpu.dma_semaphore, #tpu.memory_space<semaphore_mem>>) src(%arg7 : memref<256x128xf32, #tpu.memory_space<vmem>>) dst(%dma_wait3A_16 : memref<256x128xf32, #tpu.memory_space<hbm>>)
      tpu.yield
    }) : () -> ()
    return
  }
}

#map = affine_map<(d0, d1) -> (0, 0)>
#map1 = affine_map<(d0, d1) -> (0)>
module attributes {stable_mosaic.version = 14 : i64} {
  func.func @sc_gather(%arg0: i32, %arg1: i32, %arg2: memref<8192x128xf32, #tpu.memory_space<hbm>>, %arg3: memref<8192xi32, #tpu.memory_space<hbm>>, %arg4: memref<8192x128xf32, #tpu.memory_space<hbm>>, %arg5: memref<256xi32, #tpu.memory_space<vmem>>, %arg6: memref<256xi32, #tpu.memory_space<vmem>>, %arg7: memref<256x128xf32, #tpu.memory_space<vmem>>, %arg8: memref<256x128xf32, #tpu.memory_space<vmem>>, %arg9: memref<!tpu.dma_semaphore, #tpu.memory_space<semaphore_mem>>, %arg10: memref<!tpu.dma_semaphore, #tpu.memory_space<semaphore_mem>>) attributes {dimension_semantics = [#tpu.dimension_semantics<core_parallel>, #tpu.dimension_semantics<subcore_parallel>], iteration_bounds = array<i64: 2, 16>, scalar_prefetch = 0 : i64, scratch_operands = 6 : i64, tpu.core_type = #tpu.core_type<sc_vector_subcore>, window_params = [{transform_indices = #map}, {transform_indices = #map1}, {transform_indices = #map}]} {
    %mul3A = arith.constant 2 : i32
    %mul3A_0 = arith.muli %arg1, %mul3A : i32
    %add3A = arith.addi %mul3A_0, %arg0 : i32
    %mul3A_1 = arith.constant 256 : i32
    %mul3A_2 = arith.muli %add3A, %mul3A_1 : i32
    "tpu.region"() ({
      %run_scoped3A = tpu.sem_alloc : memref<!tpu.dma_semaphore, #tpu.memory_space<semaphore_mem>>
      %dma_start3A_9 = tpu.memref_slice %arg3[%mul3A_2] : memref<8192xi32, #tpu.memory_space<hbm>> -> memref<256xi32, #tpu.memory_space<hbm>>
      %dma_start3A_10 = tpu.memref_slice %arg3[%mul3A_2] : memref<8192xi32, #tpu.memory_space<hbm>> -> memref<256xi32, #tpu.memory_space<hbm>>
      tpu.enqueue_dma source(%dma_start3A_10 : memref<256xi32, #tpu.memory_space<hbm>>) target(%arg5 : memref<256xi32, #tpu.memory_space<vmem>>) target_semaphore(%run_scoped3A : memref<!tpu.dma_semaphore, #tpu.memory_space<semaphore_mem>>)
      %dma_wait3A_11 = tpu.memref_slice %arg3[%mul3A_2] : memref<8192xi32, #tpu.memory_space<hbm>> -> memref<256xi32, #tpu.memory_space<hbm>>
      %dma_wait3A_12 = tpu.memref_slice %arg3[%mul3A_2] : memref<8192xi32, #tpu.memory_space<hbm>> -> memref<256xi32, #tpu.memory_space<hbm>>
      tpu.wait_dma2 semaphore(%run_scoped3A : memref<!tpu.dma_semaphore, #tpu.memory_space<semaphore_mem>>) src(%dma_wait3A_12 : memref<256xi32, #tpu.memory_space<hbm>>) dst(%arg5 : memref<256xi32, #tpu.memory_space<vmem>>)
      tpu.yield
    }) : () -> ()
    %dma_start3A = arith.constant 0 : i32
    %dma_start3A_3 = arith.constant 0 : i32
    %dma_start3A_4 = tpu.memref_slice %arg2[%dma_start3A, %dma_start3A_3] : memref<8192x128xf32, #tpu.memory_space<hbm>> -> memref<8192x128xf32, #tpu.memory_space<hbm>>
    tpu.enqueue_indirect_dma source(%dma_start3A_4 : memref<8192x128xf32, #tpu.memory_space<hbm>>) target(%arg7 : memref<256x128xf32, #tpu.memory_space<vmem>>) offsets(%arg5 : memref<256xi32, #tpu.memory_space<vmem>>) semaphore(%arg9 : memref<!tpu.dma_semaphore, #tpu.memory_space<semaphore_mem>>)
    %dma_wait3A = arith.constant 0 : i32
    %dma_wait3A_5 = arith.constant 0 : i32
    %dma_wait3A_6 = tpu.memref_slice %arg2[%dma_wait3A, %dma_wait3A_5] : memref<8192x128xf32, #tpu.memory_space<hbm>> -> memref<8192x128xf32, #tpu.memory_space<hbm>>
    tpu.wait_indirect_dma semaphore(%arg9 : memref<!tpu.dma_semaphore, #tpu.memory_space<semaphore_mem>>) src(%dma_wait3A_6 : memref<8192x128xf32, #tpu.memory_space<hbm>>) dst(%arg7 : memref<256x128xf32, #tpu.memory_space<vmem>>)
    %add3A_7 = arith.constant 0 : i32
    %add3A_8 = arith.addi %mul3A_2, %add3A_7 : i32
    "tpu.region"() ({
      %run_scoped3A = tpu.sem_alloc : memref<!tpu.dma_semaphore, #tpu.memory_space<semaphore_mem>>
      %dma_start3A_9 = arith.constant 0 : i32
      %dma_start3A_10 = tpu.memref_slice %arg4[%add3A_8, %dma_start3A_9] : memref<8192x128xf32, #tpu.memory_space<hbm>> -> memref<256x128xf32, #tpu.memory_space<hbm>>
      %dma_start3A_11 = arith.constant 0 : i32
      %dma_start3A_12 = tpu.memref_slice %arg4[%add3A_8, %dma_start3A_11] : memref<8192x128xf32, #tpu.memory_space<hbm>> -> memref<256x128xf32, #tpu.memory_space<hbm>>
      tpu.enqueue_dma source(%arg7 : memref<256x128xf32, #tpu.memory_space<vmem>>) target(%dma_start3A_12 : memref<256x128xf32, #tpu.memory_space<hbm>>) target_semaphore(%run_scoped3A : memref<!tpu.dma_semaphore, #tpu.memory_space<semaphore_mem>>)
      %dma_wait3A_13 = arith.constant 0 : i32
      %dma_wait3A_14 = tpu.memref_slice %arg4[%add3A_8, %dma_wait3A_13] : memref<8192x128xf32, #tpu.memory_space<hbm>> -> memref<256x128xf32, #tpu.memory_space<hbm>>
      %dma_wait3A_15 = arith.constant 0 : i32
      %dma_wait3A_16 = tpu.memref_slice %arg4[%add3A_8, %dma_wait3A_15] : memref<8192x128xf32, #tpu.memory_space<hbm>> -> memref<256x128xf32, #tpu.memory_space<hbm>>
      tpu.wait_dma2 semaphore(%run_scoped3A : memref<!tpu.dma_semaphore, #tpu.memory_space<semaphore_mem>>) src(%arg7 : memref<256x128xf32, #tpu.memory_space<vmem>>) dst(%dma_wait3A_16 : memref<256x128xf32, #tpu.memory_space<hbm>>)
      tpu.yield
    }) : () -> ()
    return
  }
}

module attributes {stable_mosaic.version = 14 : i64} {
  func.func @_combine_body1(%arg0: i32, %arg1: memref<8x128x2048xf32, #tpu.memory_space<any>>, %arg2: memref<1x128x2048xf32, #tpu.memory_space<vmem>>, %arg3: memref<256x128xf32, #tpu.memory_space<vmem>>, %arg4: memref<128x1xf32, #tpu.memory_space<vmem>>, %arg5: memref<1x2048x128xf32, #tpu.memory_space<vmem>>, %arg6: memref<1x128x2048xf32, #tpu.memory_space<vmem>>) attributes {dimension_semantics = [#tpu.dimension_semantics<arbitrary>], iteration_bounds = array<i64: 4>, scalar_prefetch = 0 : i64, scratch_operands = 0 : i64, tpu.core_type = #tpu.core_type<tc>, window_params = [{}, {transform_indices = @transform_1, window_bounds = array<i64: 1, 128, 2048>}, {pipeline_mode = #tpu.pipeline_mode<synchronous>, transform_indices = @transform_2, window_bounds = array<i64: 256, 128>}, {pipeline_mode = #tpu.pipeline_mode<synchronous>, transform_indices = @transform_3, window_bounds = array<i64: 128, 1>}, {transform_indices = @transform_4, window_bounds = array<i64: 1, 2048, 128>}, {transform_indices = @transform_5, window_bounds = array<i64: 1, 128, 2048>}]} {
    %get3A = arith.constant 0 : index
    %get3A_0 = arith.constant 0 : index
    %get3A_1 = arith.constant 0 : index
    %get3A_2 = vector.load %arg2[%get3A, %get3A_0, %get3A_1] : memref<1x128x2048xf32, #tpu.memory_space<vmem>>, vector<1x128x2048xf32>
    %get3A_3 = vector.shape_cast %get3A_2 : vector<1x128x2048xf32> to vector<128x2048xf32>
    %get3A_4 = arith.constant 0 : index
    %get3A_5 = arith.constant 0 : index
    %get3A_6 = vector.load %arg3[%get3A_4, %get3A_5] : memref<256x128xf32, #tpu.memory_space<vmem>>, vector<128x128xf32>
    %get3A_7 = arith.constant 128 : index
    %get3A_8 = arith.constant 0 : index
    %get3A_9 = vector.load %arg3[%get3A_7, %get3A_8] : memref<256x128xf32, #tpu.memory_space<vmem>>, vector<128x128xf32>
    %sub3A = arith.subf %get3A_6, %get3A_9 : vector<128x128xf32>
    %dot_general3A = arith.constant dense<0.000000e+00> : vector<128x2048xf32>
    %dot_general3A_10 = tpu.matmul %sub3A, %get3A_3, %dot_general3A {dimension_numbers = #tpu.dot_dimension_numbers<[0], [0], [1], [1], [0, 1, 1, 1], [], []>, transpose_lhs_hint = false} : vector<128x128xf32>, vector<128x2048xf32>, vector<128x2048xf32> -> vector<128x2048xf32>
    %dot_general3A_11 = arith.constant dense<0.000000e+00> : vector<128x2048xf32>
    %dot_general3A_12 = tpu.matmul %get3A_9, %get3A_3, %dot_general3A_11 {dimension_numbers = #tpu.dot_dimension_numbers<[0], [0], [1], [1], [0, 1, 1, 1], [], []>, transpose_lhs_hint = false} : vector<128x128xf32>, vector<128x2048xf32>, vector<128x2048xf32> -> vector<128x2048xf32>
    %get3A_13 = arith.constant 0 : index
    %get3A_14 = arith.constant 0 : index
    %get3A_15 = arith.constant 0 : index
    %get3A_16 = vector.load %arg5[%get3A_13, %get3A_14, %get3A_15] : memref<1x2048x128xf32, #tpu.memory_space<vmem>>, vector<1x2048x128xf32>
    %get3A_17 = vector.shape_cast %get3A_16 : vector<1x2048x128xf32> to vector<2048x128xf32>
    %transpose3A = tpu.transpose %get3A_17, [1, 0] : vector<2048x128xf32> -> vector<128x2048xf32>
    %get3A_18 = arith.constant 0 : index
    %get3A_19 = arith.constant 0 : index
    %get3A_20 = vector.load %arg4[%get3A_18, %get3A_19] : memref<128x1xf32, #tpu.memory_space<vmem>>, vector<128x1xf32>
    %add3A = vector.broadcast %get3A_20 : vector<128x1xf32> to vector<128x2048xf32>
    %add3A_21 = arith.addf %dot_general3A_10, %add3A : vector<128x2048xf32>
    %max3A = arith.maximumf %dot_general3A_12, %transpose3A : vector<128x2048xf32>
    %add3A_22 = arith.addf %add3A_21, %max3A : vector<128x2048xf32>
    %gt3A = arith.constant 0.000000e+00 : f32
    %gt3A_23 = vector.broadcast %gt3A : f32 to vector<128x2048xf32>
    %gt3A_24 = arith.cmpf ogt, %add3A_22, %gt3A_23 : vector<128x2048xf32>
    %mul3A = arith.constant 2.000000e-01 : f32
    %mul3A_25 = vector.broadcast %mul3A : f32 to vector<128x2048xf32>
    %mul3A_26 = arith.mulf %mul3A_25, %add3A_22 : vector<128x2048xf32>
    %select_n3A = arith.select %gt3A_24, %add3A_22, %mul3A_26 : vector<128x2048xi1>, vector<128x2048xf32>
    %swap3A = arith.constant 0 : index
    %swap3A_27 = arith.constant 0 : index
    %swap3A_28 = arith.constant 0 : index
    %swap3A_29 = vector.load %arg6[%swap3A, %swap3A_27, %swap3A_28] : memref<1x128x2048xf32, #tpu.memory_space<vmem>>, vector<1x128x2048xf32>
    %swap3A_30 = vector.shape_cast %swap3A_29 : vector<1x128x2048xf32> to vector<128x2048xf32>
    %swap3A_31 = vector.shape_cast %select_n3A : vector<128x2048xf32> to vector<1x128x2048xf32>
    tpu.vector_store %arg6[%swap3A, %swap3A_27, %swap3A_28], %swap3A_31 {strides = array<i32>} : memref<1x128x2048xf32, #tpu.memory_space<vmem>>, vector<1x128x2048xf32>,
    return
  }
  func.func @transform_1(%arg0: i32) -> (i32, i32, i32) {
    %add3A = arith.constant 4 : i32
    %add3A_0 = arith.addi %add3A, %arg0 : i32
    %c0_i32 = arith.constant 0 : i32
    %c0_i32_1 = arith.constant 0 : i32
    %c0_i32_2 = arith.constant 0 : i32
    return %add3A_0, %c0_i32, %c0_i32_1 : i32, i32, i32
  }
  func.func @transform_2(%arg0: i32) -> (i32, i32) {
    %c0_i32 = arith.constant 0 : i32
    %c0_i32_0 = arith.constant 0 : i32
    %c0_i32_1 = arith.constant 0 : i32
    return %c0_i32, %c0_i32_0 : i32, i32
  }
  func.func @transform_3(%arg0: i32) -> (i32, i32) {
    %c0_i32 = arith.constant 0 : i32
    %c0_i32_0 = arith.constant 0 : i32
    %c0_i32_1 = arith.constant 0 : i32
    return %c0_i32, %c0_i32_0 : i32, i32
  }
  func.func @transform_4(%arg0: i32) -> (i32, i32, i32) {
    %c0_i32 = arith.constant 0 : i32
    %c0_i32_0 = arith.constant 0 : i32
    %c0_i32_1 = arith.constant 0 : i32
    return %arg0, %c0_i32, %c0_i32_0 : i32, i32, i32
  }
  func.func @transform_5(%arg0: i32) -> (i32, i32, i32) {
    %add3A = arith.constant 4 : i32
    %add3A_0 = arith.addi %add3A, %arg0 : i32
    %c0_i32 = arith.constant 0 : i32
    %c0_i32_1 = arith.constant 0 : i32
    %c0_i32_2 = arith.constant 0 : i32
    return %add3A_0, %c0_i32, %c0_i32_1 : i32, i32, i32
  }
}

module attributes {stable_mosaic.version = 14 : i64} {
  func.func @_prep_body(%arg0: i32, %arg1: i32, %arg2: memref<1x128x2048xf32, #tpu.memory_space<vmem>>, %arg3: memref<1x128x2048xf32, #tpu.memory_space<vmem>>, %arg4: memref<256x128xf32, #tpu.memory_space<vmem>>, %arg5: memref<2048x1xf32, #tpu.memory_space<vmem>>, %arg6: memref<2048x128xf32, #tpu.memory_space<vmem>>, %arg7: memref<1x1x2048xi32, #tpu.memory_space<vmem>>) attributes {dimension_semantics = [#tpu.dimension_semantics<arbitrary>, #tpu.dimension_semantics<arbitrary>], iteration_bounds = array<i64: 4, 1>, scalar_prefetch = 0 : i64, scratch_operands = 0 : i64, tpu.core_type = #tpu.core_type<tc>, window_params = [{transform_indices = @transform_0, window_bounds = array<i64: 1, 128, 2048>}, {transform_indices = @transform_1, window_bounds = array<i64: 1, 128, 2048>}, {pipeline_mode = #tpu.pipeline_mode<synchronous>, transform_indices = @transform_2, window_bounds = array<i64: 256, 128>}, {pipeline_mode = #tpu.pipeline_mode<synchronous>, transform_indices = @transform_3, window_bounds = array<i64: 2048, 1>}, {transform_indices = @transform_4, window_bounds = array<i64: 2048, 128>}, {transform_indices = @transform_5, window_bounds = array<i64: 1, 1, 2048>}]} {
    %get3A = arith.constant 0 : index
    %get3A_0 = arith.constant 0 : index
    %get3A_1 = arith.constant 0 : index
    %get3A_2 = vector.load %arg2[%get3A, %get3A_0, %get3A_1] : memref<1x128x2048xf32, #tpu.memory_space<vmem>>, vector<1x128x2048xf32>
    %get3A_3 = vector.shape_cast %get3A_2 : vector<1x128x2048xf32> to vector<128x2048xf32>
    %get3A_4 = arith.constant 0 : index
    %get3A_5 = arith.constant 0 : index
    %get3A_6 = arith.constant 0 : index
    %get3A_7 = vector.load %arg3[%get3A_4, %get3A_5, %get3A_6] : memref<1x128x2048xf32, #tpu.memory_space<vmem>>, vector<1x128x2048xf32>
    %get3A_8 = vector.shape_cast %get3A_7 : vector<1x128x2048xf32> to vector<128x2048xf32>
    %get3A_9 = arith.constant 128 : index
    %get3A_10 = arith.constant 0 : index
    %get3A_11 = vector.load %arg4[%get3A_9, %get3A_10] : memref<256x128xf32, #tpu.memory_space<vmem>>, vector<128x128xf32>
    %mul3A = arith.constant -2.000000e+00 : f32
    %mul3A_12 = vector.broadcast %mul3A : f32 to vector<128x2048xf32>
    %mul3A_13 = arith.mulf %get3A_8, %mul3A_12 : vector<128x2048xf32>
    %dot_general3A = arith.constant dense<0.000000e+00> : vector<2048x2048xf32>
    %dot_general3A_14 = tpu.matmul %get3A_3, %mul3A_13, %dot_general3A {dimension_numbers = #tpu.dot_dimension_numbers<[0], [0], [1], [1], [0, 1, 1, 1], [], []>, transpose_lhs_hint = false} : vector<128x2048xf32>, vector<128x2048xf32>, vector<2048x2048xf32> -> vector<2048x2048xf32>
    %mul3A_15 = arith.mulf %get3A_3, %get3A_3 : vector<128x2048xf32>
    %reduce_sum3A = arith.constant dense<0.000000e+00> : vector<2048xf32>
    %reduce_sum3A_16 = vector.multi_reduction <add>, %mul3A_15, %reduce_sum3A [0] : vector<128x2048xf32> to vector<2048xf32>
    %broadcast_in_dim3A = vector.shape_cast %reduce_sum3A_16 : vector<2048xf32> to vector<1x2048xf32>
    %transpose3A = tpu.transpose %broadcast_in_dim3A, [1, 0] : vector<1x2048xf32> -> vector<2048x1xf32>
    %add3A = vector.broadcast %transpose3A : vector<2048x1xf32> to vector<2048x2048xf32>
    %add3A_17 = arith.addf %add3A, %dot_general3A_14 : vector<2048x2048xf32>
    %get3A_18 = arith.constant 0 : index
    %get3A_19 = arith.constant 0 : index
    %get3A_20 = vector.load %arg5[%get3A_18, %get3A_19] : memref<2048x1xf32, #tpu.memory_space<vmem>>, vector<2048x1xf32>
    %reduce_min3A = arith.constant dense<0x7F800000> : vector<2048xf32>
    %reduce_min3A_21 = vector.multi_reduction <minimumf>, %add3A_17, %reduce_min3A [0] : vector<2048x2048xf32> to vector<2048xf32>
    %broadcast_in_dim3A_22 = vector.shape_cast %reduce_min3A_21 : vector<2048xf32> to vector<1x2048xf32>
    %eq3A = vector.broadcast %broadcast_in_dim3A_22 : vector<1x2048xf32> to vector<2048x2048xf32>
    %eq3A_23 = arith.cmpf oeq, %add3A_17, %eq3A : vector<2048x2048xf32>
    %jit3A = arith.constant 1.000000e+30 : f32
    %broadcast_in_dim3A_24 = vector.broadcast %jit3A : f32 to vector<2048x2048xf32>
    %select_n3A = arith.select %eq3A_23, %broadcast_in_dim3A_24, %add3A_17 : vector<2048x2048xi1>, vector<2048x2048xf32>
    %reduce_min3A_25 = arith.constant dense<0x7F800000> : vector<2048xf32>
    %reduce_min3A_26 = vector.multi_reduction <minimumf>, %select_n3A, %reduce_min3A_25 [0] : vector<2048x2048xf32> to vector<2048xf32>
    %broadcast_in_dim3A_27 = vector.shape_cast %reduce_min3A_26 : vector<2048xf32> to vector<1x2048xf32>
    %eq3A_28 = vector.broadcast %broadcast_in_dim3A_27 : vector<1x2048xf32> to vector<2048x2048xf32>
    %eq3A_29 = arith.cmpf oeq, %select_n3A, %eq3A_28 : vector<2048x2048xf32>
    %jit3A_30 = arith.constant 2.048000e+03 : f32
    %broadcast_in_dim3A_31 = vector.shape_cast %get3A_20 : vector<2048x1xf32> to vector<2048x1xf32>
    %broadcast_in_dim3A_32 = vector.broadcast %broadcast_in_dim3A_31 : vector<2048x1xf32> to vector<2048x2048xf32>
    %broadcast_in_dim3A_33 = vector.broadcast %jit3A_30 : f32 to vector<2048x2048xf32>
    %select_n3A_34 = arith.select %eq3A_29, %broadcast_in_dim3A_32, %broadcast_in_dim3A_33 : vector<2048x2048xi1>, vector<2048x2048xf32>
    %reduce_min3A_35 = arith.constant dense<0x7F800000> : vector<2048xf32>
    %reduce_min3A_36 = vector.multi_reduction <minimumf>, %select_n3A_34, %reduce_min3A_35 [0] : vector<2048x2048xf32> to vector<2048xf32>
    %broadcast_in_dim3A_37 = vector.shape_cast %reduce_min3A_36 : vector<2048xf32> to vector<1x2048xf32>
    %convert_element_type3A = arith.fptosi %broadcast_in_dim3A_37 : vector<1x2048xf32> to vector<1x2048xi32>
    %mul3A_38 = arith.constant 2048 : i32
    %mul3A_39 = arith.muli %arg0, %mul3A_38 : i32
    %add3A_40 = vector.broadcast %mul3A_39 : i32 to vector<1x2048xi32>
    %add3A_41 = arith.addi %convert_element_type3A, %add3A_40 : vector<1x2048xi32>
    %swap3A = arith.constant 0 : index
    %swap3A_42 = arith.constant 0 : index
    %swap3A_43 = arith.constant 0 : index
    %swap3A_44 = vector.load %arg7[%swap3A, %swap3A_42, %swap3A_43] : memref<1x1x2048xi32, #tpu.memory_space<vmem>>, vector<1x1x2048xi32>
    %swap3A_45 = vector.shape_cast %swap3A_44 : vector<1x1x2048xi32> to vector<1x2048xi32>
    %swap3A_46 = vector.shape_cast %add3A_41 : vector<1x2048xi32> to vector<1x1x2048xi32>
    tpu.vector_store %arg7[%swap3A, %swap3A_42, %swap3A_43], %swap3A_46 {strides = array<i32>} : memref<1x1x2048xi32, #tpu.memory_space<vmem>>, vector<1x1x2048xi32>,
    %dot_general3A_47 = arith.constant dense<0.000000e+00> : vector<2048x128xf32>
    %dot_general3A_48 = tpu.matmul %get3A_8, %get3A_11, %dot_general3A_47 {dimension_numbers = #tpu.dot_dimension_numbers<[0], [0], [1], [1], [0, 1, 1, 1], [], []>, transpose_lhs_hint = false} : vector<128x2048xf32>, vector<128x128xf32>, vector<2048x128xf32> -> vector<2048x128xf32>
    %swap3A_49 = arith.constant 0 : index
    %swap3A_50 = arith.constant 0 : index
    %swap3A_51 = vector.load %arg6[%swap3A_49, %swap3A_50] : memref<2048x128xf32, #tpu.memory_space<vmem>>, vector<2048x128xf32>
    tpu.vector_store %arg6[%swap3A_49, %swap3A_50], %dot_general3A_48 {strides = array<i32>} : memref<2048x128xf32, #tpu.memory_space<vmem>>, vector<2048x128xf32>,
    return
  }
  func.func @transform_0(%arg0: i32, %arg1: i32) -> (i32, i32, i32) {
    %add3A = arith.constant 4 : i32
    %add3A_0 = arith.addi %add3A, %arg0 : i32
    %c0_i32 = arith.constant 0 : i32
    %c0_i32_1 = arith.constant 0 : i32
    %c0_i32_2 = arith.constant 0 : i32
    return %add3A_0, %c0_i32, %c0_i32_1 : i32, i32, i32
  }
  func.func @transform_1(%arg0: i32, %arg1: i32) -> (i32, i32, i32) {
    %add3A = arith.constant 4 : i32
    %add3A_0 = arith.addi %add3A, %arg0 : i32
    %c0_i32 = arith.constant 0 : i32
    %c0_i32_1 = arith.constant 0 : i32
    return %add3A_0, %c0_i32, %arg1 : i32, i32, i32
  }
  func.func @transform_2(%arg0: i32, %arg1: i32) -> (i32, i32) {
    %c0_i32 = arith.constant 0 : i32
    %c0_i32_0 = arith.constant 0 : i32
    %c0_i32_1 = arith.constant 0 : i32
    return %c0_i32, %c0_i32_0 : i32, i32
  }
  func.func @transform_3(%arg0: i32, %arg1: i32) -> (i32, i32) {
    %c0_i32 = arith.constant 0 : i32
    %c0_i32_0 = arith.constant 0 : i32
    %c0_i32_1 = arith.constant 0 : i32
    return %c0_i32, %c0_i32_0 : i32, i32
  }
  func.func @transform_4(%arg0: i32, %arg1: i32) -> (i32, i32) {
    %mul3A = arith.constant 1 : i32
    %mul3A_0 = arith.muli %arg0, %mul3A : i32
    %add3A = arith.addi %mul3A_0, %arg1 : i32
    %c0_i32 = arith.constant 0 : i32
    %c0_i32_1 = arith.constant 0 : i32
    return %add3A, %c0_i32 : i32, i32
  }
  func.func @transform_5(%arg0: i32, %arg1: i32) -> (i32, i32, i32) {
    %mul3A = arith.constant 1 : i32
    %mul3A_0 = arith.muli %arg0, %mul3A : i32
    %add3A = arith.addi %mul3A_0, %arg1 : i32
    %c0_i32 = arith.constant 0 : i32
    %c0_i32_1 = arith.constant 0 : i32
    %c0_i32_2 = arith.constant 0 : i32
    return %add3A, %c0_i32, %c0_i32_1 : i32, i32, i32
  }
}

module attributes {stable_mosaic.version = 14 : i64} {
  func.func @_prep_body(%arg0: i32, %arg1: i32, %arg2: memref<1x128x2048xf32, #tpu.memory_space<vmem>>, %arg3: memref<1x128x2048xf32, #tpu.memory_space<vmem>>, %arg4: memref<256x128xf32, #tpu.memory_space<vmem>>, %arg5: memref<2048x1xf32, #tpu.memory_space<vmem>>, %arg6: memref<2048x128xf32, #tpu.memory_space<vmem>>, %arg7: memref<1x1x2048xi32, #tpu.memory_space<vmem>>) attributes {dimension_semantics = [#tpu.dimension_semantics<arbitrary>, #tpu.dimension_semantics<arbitrary>], iteration_bounds = array<i64: 4, 1>, scalar_prefetch = 0 : i64, scratch_operands = 0 : i64, tpu.core_type = #tpu.core_type<tc>, window_params = [{transform_indices = @transform_0, window_bounds = array<i64: 1, 128, 2048>}, {transform_indices = @transform_1, window_bounds = array<i64: 1, 128, 2048>}, {pipeline_mode = #tpu.pipeline_mode<synchronous>, transform_indices = @transform_2, window_bounds = array<i64: 256, 128>}, {pipeline_mode = #tpu.pipeline_mode<synchronous>, transform_indices = @transform_3, window_bounds = array<i64: 2048, 1>}, {transform_indices = @transform_4, window_bounds = array<i64: 2048, 128>}, {transform_indices = @transform_5, window_bounds = array<i64: 1, 1, 2048>}]} {
    %get3A = arith.constant 0 : index
    %get3A_0 = arith.constant 0 : index
    %get3A_1 = arith.constant 0 : index
    %get3A_2 = vector.load %arg2[%get3A, %get3A_0, %get3A_1] : memref<1x128x2048xf32, #tpu.memory_space<vmem>>, vector<1x128x2048xf32>
    %get3A_3 = vector.shape_cast %get3A_2 : vector<1x128x2048xf32> to vector<128x2048xf32>
    %get3A_4 = arith.constant 0 : index
    %get3A_5 = arith.constant 0 : index
    %get3A_6 = arith.constant 0 : index
    %get3A_7 = vector.load %arg3[%get3A_4, %get3A_5, %get3A_6] : memref<1x128x2048xf32, #tpu.memory_space<vmem>>, vector<1x128x2048xf32>
    %get3A_8 = vector.shape_cast %get3A_7 : vector<1x128x2048xf32> to vector<128x2048xf32>
    %get3A_9 = arith.constant 128 : index
    %get3A_10 = arith.constant 0 : index
    %get3A_11 = vector.load %arg4[%get3A_9, %get3A_10] : memref<256x128xf32, #tpu.memory_space<vmem>>, vector<128x128xf32>
    %mul3A = arith.constant -2.000000e+00 : f32
    %mul3A_12 = vector.broadcast %mul3A : f32 to vector<128x2048xf32>
    %mul3A_13 = arith.mulf %get3A_8, %mul3A_12 : vector<128x2048xf32>
    %dot_general3A = arith.constant dense<0.000000e+00> : vector<2048x2048xf32>
    %dot_general3A_14 = tpu.matmul %get3A_3, %mul3A_13, %dot_general3A {dimension_numbers = #tpu.dot_dimension_numbers<[0], [0], [1], [1], [0, 1, 1, 1], [], []>, transpose_lhs_hint = false} : vector<128x2048xf32>, vector<128x2048xf32>, vector<2048x2048xf32> -> vector<2048x2048xf32>
    %mul3A_15 = arith.mulf %get3A_3, %get3A_3 : vector<128x2048xf32>
    %reduce_sum3A = arith.constant dense<0.000000e+00> : vector<2048xf32>
    %reduce_sum3A_16 = vector.multi_reduction <add>, %mul3A_15, %reduce_sum3A [0] : vector<128x2048xf32> to vector<2048xf32>
    %broadcast_in_dim3A = vector.shape_cast %reduce_sum3A_16 : vector<2048xf32> to vector<1x2048xf32>
    %transpose3A = tpu.transpose %broadcast_in_dim3A, [1, 0] : vector<1x2048xf32> -> vector<2048x1xf32>
    %add3A = vector.broadcast %transpose3A : vector<2048x1xf32> to vector<2048x2048xf32>
    %add3A_17 = arith.addf %add3A, %dot_general3A_14 : vector<2048x2048xf32>
    %get3A_18 = arith.constant 0 : index
    %get3A_19 = arith.constant 0 : index
    %get3A_20 = vector.load %arg5[%get3A_18, %get3A_19] : memref<2048x1xf32, #tpu.memory_space<vmem>>, vector<2048x1xf32>
    %reduce_min3A = arith.constant dense<0x7F800000> : vector<2048xf32>
    %reduce_min3A_21 = vector.multi_reduction <minimumf>, %add3A_17, %reduce_min3A [0] : vector<2048x2048xf32> to vector<2048xf32>
    %broadcast_in_dim3A_22 = vector.shape_cast %reduce_min3A_21 : vector<2048xf32> to vector<1x2048xf32>
    %eq3A = vector.broadcast %broadcast_in_dim3A_22 : vector<1x2048xf32> to vector<2048x2048xf32>
    %eq3A_23 = arith.cmpf oeq, %add3A_17, %eq3A : vector<2048x2048xf32>
    %jit3A = arith.constant 1.000000e+30 : f32
    %broadcast_in_dim3A_24 = vector.broadcast %jit3A : f32 to vector<2048x2048xf32>
    %select_n3A = arith.select %eq3A_23, %broadcast_in_dim3A_24, %add3A_17 : vector<2048x2048xi1>, vector<2048x2048xf32>
    %reduce_min3A_25 = arith.constant dense<0x7F800000> : vector<2048xf32>
    %reduce_min3A_26 = vector.multi_reduction <minimumf>, %select_n3A, %reduce_min3A_25 [0] : vector<2048x2048xf32> to vector<2048xf32>
    %broadcast_in_dim3A_27 = vector.shape_cast %reduce_min3A_26 : vector<2048xf32> to vector<1x2048xf32>
    %eq3A_28 = vector.broadcast %broadcast_in_dim3A_27 : vector<1x2048xf32> to vector<2048x2048xf32>
    %eq3A_29 = arith.cmpf oeq, %select_n3A, %eq3A_28 : vector<2048x2048xf32>
    %jit3A_30 = arith.constant 2.048000e+03 : f32
    %broadcast_in_dim3A_31 = vector.shape_cast %get3A_20 : vector<2048x1xf32> to vector<2048x1xf32>
    %broadcast_in_dim3A_32 = vector.broadcast %broadcast_in_dim3A_31 : vector<2048x1xf32> to vector<2048x2048xf32>
    %broadcast_in_dim3A_33 = vector.broadcast %jit3A_30 : f32 to vector<2048x2048xf32>
    %select_n3A_34 = arith.select %eq3A_29, %broadcast_in_dim3A_32, %broadcast_in_dim3A_33 : vector<2048x2048xi1>, vector<2048x2048xf32>
    %reduce_min3A_35 = arith.constant dense<0x7F800000> : vector<2048xf32>
    %reduce_min3A_36 = vector.multi_reduction <minimumf>, %select_n3A_34, %reduce_min3A_35 [0] : vector<2048x2048xf32> to vector<2048xf32>
    %broadcast_in_dim3A_37 = vector.shape_cast %reduce_min3A_36 : vector<2048xf32> to vector<1x2048xf32>
    %convert_element_type3A = arith.fptosi %broadcast_in_dim3A_37 : vector<1x2048xf32> to vector<1x2048xi32>
    %mul3A_38 = arith.constant 2048 : i32
    %mul3A_39 = arith.muli %arg0, %mul3A_38 : i32
    %add3A_40 = vector.broadcast %mul3A_39 : i32 to vector<1x2048xi32>
    %add3A_41 = arith.addi %convert_element_type3A, %add3A_40 : vector<1x2048xi32>
    %swap3A = arith.constant 0 : index
    %swap3A_42 = arith.constant 0 : index
    %swap3A_43 = arith.constant 0 : index
    %swap3A_44 = vector.load %arg7[%swap3A, %swap3A_42, %swap3A_43] : memref<1x1x2048xi32, #tpu.memory_space<vmem>>, vector<1x1x2048xi32>
    %swap3A_45 = vector.shape_cast %swap3A_44 : vector<1x1x2048xi32> to vector<1x2048xi32>
    %swap3A_46 = vector.shape_cast %add3A_41 : vector<1x2048xi32> to vector<1x1x2048xi32>
    tpu.vector_store %arg7[%swap3A, %swap3A_42, %swap3A_43], %swap3A_46 {strides = array<i32>} : memref<1x1x2048xi32, #tpu.memory_space<vmem>>, vector<1x1x2048xi32>,
    %dot_general3A_47 = arith.constant dense<0.000000e+00> : vector<2048x128xf32>
    %dot_general3A_48 = tpu.matmul %get3A_8, %get3A_11, %dot_general3A_47 {dimension_numbers = #tpu.dot_dimension_numbers<[0], [0], [1], [1], [0, 1, 1, 1], [], []>, transpose_lhs_hint = false} : vector<128x2048xf32>, vector<128x128xf32>, vector<2048x128xf32> -> vector<2048x128xf32>
    %swap3A_49 = arith.constant 0 : index
    %swap3A_50 = arith.constant 0 : index
    %swap3A_51 = vector.load %arg6[%swap3A_49, %swap3A_50] : memref<2048x128xf32, #tpu.memory_space<vmem>>, vector<2048x128xf32>
    tpu.vector_store %arg6[%swap3A_49, %swap3A_50], %dot_general3A_48 {strides = array<i32>} : memref<2048x128xf32, #tpu.memory_space<vmem>>, vector<2048x128xf32>,
    return
  }
  func.func @transform_0(%arg0: i32, %arg1: i32) -> (i32, i32, i32) {
    %add3A = arith.constant 0 : i32
    %add3A_0 = arith.addi %add3A, %arg0 : i32
    %c0_i32 = arith.constant 0 : i32
    %c0_i32_1 = arith.constant 0 : i32
    %c0_i32_2 = arith.constant 0 : i32
    return %add3A_0, %c0_i32, %c0_i32_1 : i32, i32, i32
  }
  func.func @transform_1(%arg0: i32, %arg1: i32) -> (i32, i32, i32) {
    %add3A = arith.constant 0 : i32
    %add3A_0 = arith.addi %add3A, %arg0 : i32
    %c0_i32 = arith.constant 0 : i32
    %c0_i32_1 = arith.constant 0 : i32
    return %add3A_0, %c0_i32, %arg1 : i32, i32, i32
  }
  func.func @transform_2(%arg0: i32, %arg1: i32) -> (i32, i32) {
    %c0_i32 = arith.constant 0 : i32
    %c0_i32_0 = arith.constant 0 : i32
    %c0_i32_1 = arith.constant 0 : i32
    return %c0_i32, %c0_i32_0 : i32, i32
  }
  func.func @transform_3(%arg0: i32, %arg1: i32) -> (i32, i32) {
    %c0_i32 = arith.constant 0 : i32
    %c0_i32_0 = arith.constant 0 : i32
    %c0_i32_1 = arith.constant 0 : i32
    return %c0_i32, %c0_i32_0 : i32, i32
  }
  func.func @transform_4(%arg0: i32, %arg1: i32) -> (i32, i32) {
    %mul3A = arith.constant 1 : i32
    %mul3A_0 = arith.muli %arg0, %mul3A : i32
    %add3A = arith.addi %mul3A_0, %arg1 : i32
    %c0_i32 = arith.constant 0 : i32
    %c0_i32_1 = arith.constant 0 : i32
    return %add3A, %c0_i32 : i32, i32
  }
  func.func @transform_5(%arg0: i32, %arg1: i32) -> (i32, i32, i32) {
    %mul3A = arith.constant 1 : i32
    %mul3A_0 = arith.muli %arg0, %mul3A : i32
    %add3A = arith.addi %mul3A_0, %arg1 : i32
    %c0_i32 = arith.constant 0 : i32
    %c0_i32_1 = arith.constant 0 : i32
    %c0_i32_2 = arith.constant 0 : i32
    return %add3A, %c0_i32, %c0_i32_1 : i32, i32, i32
  }
}

module attributes {stable_mosaic.version = 14 : i64} {
  func.func @_combine_body0(%arg0: i32, %arg1: memref<1x128x2048xf32, #tpu.memory_space<vmem>>, %arg2: memref<256x128xf32, #tpu.memory_space<vmem>>, %arg3: memref<128x1xf32, #tpu.memory_space<vmem>>, %arg4: memref<1x2048x128xf32, #tpu.memory_space<vmem>>, %arg5: memref<1x128x2048xf32, #tpu.memory_space<vmem>>) attributes {dimension_semantics = [#tpu.dimension_semantics<arbitrary>], iteration_bounds = array<i64: 4>, scalar_prefetch = 0 : i64, scratch_operands = 0 : i64, tpu.core_type = #tpu.core_type<tc>, window_params = [{transform_indices = @transform_0, window_bounds = array<i64: 1, 128, 2048>}, {pipeline_mode = #tpu.pipeline_mode<synchronous>, transform_indices = @transform_1, window_bounds = array<i64: 256, 128>}, {pipeline_mode = #tpu.pipeline_mode<synchronous>, transform_indices = @transform_2, window_bounds = array<i64: 128, 1>}, {transform_indices = @transform_3, window_bounds = array<i64: 1, 2048, 128>}, {transform_indices = @transform_4, window_bounds = array<i64: 1, 128, 2048>}]} {
    %get3A = arith.constant 0 : index
    %get3A_0 = arith.constant 0 : index
    %get3A_1 = arith.constant 0 : index
    %get3A_2 = vector.load %arg1[%get3A, %get3A_0, %get3A_1] : memref<1x128x2048xf32, #tpu.memory_space<vmem>>, vector<1x128x2048xf32>
    %get3A_3 = vector.shape_cast %get3A_2 : vector<1x128x2048xf32> to vector<128x2048xf32>
    %get3A_4 = arith.constant 0 : index
    %get3A_5 = arith.constant 0 : index
    %get3A_6 = vector.load %arg2[%get3A_4, %get3A_5] : memref<256x128xf32, #tpu.memory_space<vmem>>, vector<128x128xf32>
    %get3A_7 = arith.constant 128 : index
    %get3A_8 = arith.constant 0 : index
    %get3A_9 = vector.load %arg2[%get3A_7, %get3A_8] : memref<256x128xf32, #tpu.memory_space<vmem>>, vector<128x128xf32>
    %sub3A = arith.subf %get3A_6, %get3A_9 : vector<128x128xf32>
    %dot_general3A = arith.constant dense<0.000000e+00> : vector<128x2048xf32>
    %dot_general3A_10 = tpu.matmul %sub3A, %get3A_3, %dot_general3A {dimension_numbers = #tpu.dot_dimension_numbers<[0], [0], [1], [1], [0, 1, 1, 1], [], []>, transpose_lhs_hint = false} : vector<128x128xf32>, vector<128x2048xf32>, vector<128x2048xf32> -> vector<128x2048xf32>
    %dot_general3A_11 = arith.constant dense<0.000000e+00> : vector<128x2048xf32>
    %dot_general3A_12 = tpu.matmul %get3A_9, %get3A_3, %dot_general3A_11 {dimension_numbers = #tpu.dot_dimension_numbers<[0], [0], [1], [1], [0, 1, 1, 1], [], []>, transpose_lhs_hint = false} : vector<128x128xf32>, vector<128x2048xf32>, vector<128x2048xf32> -> vector<128x2048xf32>
    %get3A_13 = arith.constant 0 : index
    %get3A_14 = arith.constant 0 : index
    %get3A_15 = arith.constant 0 : index
    %get3A_16 = vector.load %arg4[%get3A_13, %get3A_14, %get3A_15] : memref<1x2048x128xf32, #tpu.memory_space<vmem>>, vector<1x2048x128xf32>
    %get3A_17 = vector.shape_cast %get3A_16 : vector<1x2048x128xf32> to vector<2048x128xf32>
    %transpose3A = tpu.transpose %get3A_17, [1, 0] : vector<2048x128xf32> -> vector<128x2048xf32>
    %get3A_18 = arith.constant 0 : index
    %get3A_19 = arith.constant 0 : index
    %get3A_20 = vector.load %arg3[%get3A_18, %get3A_19] : memref<128x1xf32, #tpu.memory_space<vmem>>, vector<128x1xf32>
    %add3A = vector.broadcast %get3A_20 : vector<128x1xf32> to vector<128x2048xf32>
    %add3A_21 = arith.addf %dot_general3A_10, %add3A : vector<128x2048xf32>
    %max3A = arith.maximumf %dot_general3A_12, %transpose3A : vector<128x2048xf32>
    %add3A_22 = arith.addf %add3A_21, %max3A : vector<128x2048xf32>
    %gt3A = arith.constant 0.000000e+00 : f32
    %gt3A_23 = vector.broadcast %gt3A : f32 to vector<128x2048xf32>
    %gt3A_24 = arith.cmpf ogt, %add3A_22, %gt3A_23 : vector<128x2048xf32>
    %mul3A = arith.constant 2.000000e-01 : f32
    %mul3A_25 = vector.broadcast %mul3A : f32 to vector<128x2048xf32>
    %mul3A_26 = arith.mulf %mul3A_25, %add3A_22 : vector<128x2048xf32>
    %select_n3A = arith.select %gt3A_24, %add3A_22, %mul3A_26 : vector<128x2048xi1>, vector<128x2048xf32>
    %swap3A = arith.constant 0 : index
    %swap3A_27 = arith.constant 0 : index
    %swap3A_28 = arith.constant 0 : index
    %swap3A_29 = vector.load %arg5[%swap3A, %swap3A_27, %swap3A_28] : memref<1x128x2048xf32, #tpu.memory_space<vmem>>, vector<1x128x2048xf32>
    %swap3A_30 = vector.shape_cast %swap3A_29 : vector<1x128x2048xf32> to vector<128x2048xf32>
    %swap3A_31 = vector.shape_cast %select_n3A : vector<128x2048xf32> to vector<1x128x2048xf32>
    tpu.vector_store %arg5[%swap3A, %swap3A_27, %swap3A_28], %swap3A_31 {strides = array<i32>} : memref<1x128x2048xf32, #tpu.memory_space<vmem>>, vector<1x128x2048xf32>,
    return
  }
  func.func @transform_0(%arg0: i32) -> (i32, i32, i32) {
    %add3A = arith.constant 0 : i32
    %add3A_0 = arith.addi %add3A, %arg0 : i32
    %c0_i32 = arith.constant 0 : i32
    %c0_i32_1 = arith.constant 0 : i32
    %c0_i32_2 = arith.constant 0 : i32
    return %add3A_0, %c0_i32, %c0_i32_1 : i32, i32, i32
  }
  func.func @transform_1(%arg0: i32) -> (i32, i32) {
    %c0_i32 = arith.constant 0 : i32
    %c0_i32_0 = arith.constant 0 : i32
    %c0_i32_1 = arith.constant 0 : i32
    return %c0_i32, %c0_i32_0 : i32, i32
  }
  func.func @transform_2(%arg0: i32) -> (i32, i32) {
    %c0_i32 = arith.constant 0 : i32
    %c0_i32_0 = arith.constant 0 : i32
    %c0_i32_1 = arith.constant 0 : i32
    return %c0_i32, %c0_i32_0 : i32, i32
  }
  func.func @transform_3(%arg0: i32) -> (i32, i32, i32) {
    %c0_i32 = arith.constant 0 : i32
    %c0_i32_0 = arith.constant 0 : i32
    %c0_i32_1 = arith.constant 0 : i32
    return %arg0, %c0_i32, %c0_i32_0 : i32, i32, i32
  }
  func.func @transform_4(%arg0: i32) -> (i32, i32, i32) {
    %add3A = arith.constant 0 : i32
    %add3A_0 = arith.addi %add3A, %arg0 : i32
    %c0_i32 = arith.constant 0 : i32
    %c0_i32_1 = arith.constant 0 : i32
    %c0_i32_2 = arith.constant 0 : i32
    return %add3A_0, %c0_i32, %c0_i32_1 : i32, i32, i32
  }
}

</mosaic_0001>

<sc_bundles>
// kernel: kernel.11.cloned.1.call-start
scs
__scs_entry_jumppad:
0x0: {  	(pc) =	sbr.rel $0x88, $3  }
0x1: {  	(tag) =	ssettag $0x0;
	lr =	simm.s32 $0x1  }
0x2: {  	[smem:$0x3F9E] =	sst lr;
	_ =	strace $0xD0000000  }
0x3: {  	_ = 	snop  }
0x4: {  	_ = 	snop  }
0x5: {  	_ = 	snop  }
0x6: {  	_ = 	snop  }
0x7: {  	_ = 	snop  }
__scs_overlays_trampoline_lowered:
0x8: {  	[smem:$0x3FAD] =	sst s0  }
0x9: {  	[smem:$0x3FAE] =	sst s1  }
0xa: {  	[smem:$0x3FAF] =	sst s2  }
0xb: {  	[smem:$0x3FB0] =	sst s3  }
0xc: {  	[smem:$0x3FB1] =	sst s4  }
0xd: {  	[smem:$0x3FB2] =	sst s5  }
0xe: {  	[smem:$0x3FB3] =	sst s6  }
0xf: {  	[smem:$0x3FB4] =	sst s7  }
0x10: {  	[smem:$0x3FB5] =	sst s8  }
0x11: {  	[smem:$0x3FB6] =	sst s9;
	s0 =	simm.s32 @!p0 $0x0  }
0x12: {  	s1 =	sld [smem:$0x3F9C];
	s0 =	simm.s32 @p0 $0x1  }
0x13: {  	[smem:$0x3FB7] =	sst s0;
	s0 =	simm.s32 @!p1 $0x0  }
0x14: {  	s2 =	sld [smem:$0x3F9B];
	s0 =	simm.s32 @p1 $0x1  }
0x15: {  	[smem:$0x3FB8] =	sst s0;
	s0 =	simm.s32 @!p2 $0x0  }
0x16: {  	s3 =	sld [smem:$0x3FDB];
	s0 =	simm.s32 @p2 $0x1  }
0x17: {  	s4 =	simm.s32 $0x1BF5;
	[smem:$0x3FBA] =	sst s0  }
0x18: {  	s0 =	sld [smem:$0x3F9D];
	_ =	swait.ge [sflag:s4], $0x0  }
0x19: {  	s7 =	sld [smem:$0x3F9E]  }
0x1a: {  	s8 =	sadd.s32 $0xFFFFE003, lr  }
0x1b: {  	s9 =	sadd.s32 $0xFFFFFEF7, lr;
	s5 =	simm.s32 $0xFFFFFFFF;
	p2 =	slt.u32 s8, $0xFFFFF086  }
0x1c: {  	p1 =	slt.u32 s9, $0xF7A;
	s5 =	simm.s32 @!p2 $0x0  }
0x1d: {  	s5 =	simm.s32 @p1 $0x1;
	p0 =	seq.s32 s7, s2  }
0x1e: {  	s7 =	smul.u32 @!p0 $0xF7A, s2;
	p2 =	seq.s32 @!p0 s5, $0x0  }
0x1f: {  	s9 =	smul.u32 $0xF7A, s1;
	s8 =	simm.s32 @!p0 $0x1BF5;
	p2 =	por !p2, p0  }
0x20: {  	[sflag:s8] =	ssyncset.s32 @!p0 $0xFFFFF086;
	s6 =	sadd.s32 @!p0 s3, s7;
	s7 =	simm.s32 @!p0 $0x108  }
0x21: {  	s3 =	sadd.s32 s3, s9;
	s6 =	sadd.s32 @!p0 $0x88, s6;
	s7 =	simm.s32 @p2 $0x1082  }
0x22: {  	[simem:s7], [sflag:s8] =	dma.local @!p0 [hbm:s6], $0xF7A  }
0x23: {  	s9 =	sor.u32 $0xD0000000, s2;
	s6 =	simm.s32 $0x108;
	_ =	swait.ge @!p0 [sflag:s8], $0x0  }
0x24: {  	s3 =	sadd.s32 $0x88, s3;
	s6 =	simm.s32 @!p1 $0x1082;
	[sflag:s4] =	ssyncset.s32 $0xFFFFF086  }
0x25: {  	[simem:s6], [sflag:s4] =	dma.local [hbm:s3], $0xF7A  }
0x26: {  	[smem:$0x3F9E] =	sst s1;
	(tag) =	ssettag s2;
	_ =	strace s9  }
0x27: {  	s1 =	sld [smem:$0x3FAE]  }
0x28: {  	s2 =	sld [smem:$0x3FAF]  }
0x29: {  	s4 =	sld [smem:$0x3FB1]  }
0x2a: {  	p0 =	seq.s32 s5, $0x0;
	s5 =	sld [smem:$0x3FB2]  }
0x2b: {  	s6 =	sld [smem:$0x3FB3]  }
0x2c: {  	s7 =	sld [smem:$0x3FB4]  }
0x2d: {  	s3 =	simm.s32 $0x108;
	s8 =	sld [smem:$0x3FB5]  }
0x2e: {  	s3 =	simm.s32 @!p0 $0x1082;
	s9 =	sld [smem:$0x3FB6]  }
0x2f: {  	lr =	sadd.s32 s0, s3;
	s0 =	sld [smem:$0x3FAD]  }
0x30: {  	s3 =	sld [smem:$0x3FB0]  }
0x31: {  	[smem:$0x3FB9] =	sst s10  }
0x32: {  	s10 =	sld [smem:$0x3FB7];
	_ =	sdelay $0x3  }
0x33: {  	p0 =	seq.s32 s10, $0x1;
	s10 =	sld [smem:$0x3FB9];
	_ =	sdelay $0x3  }
0x34: {  	[smem:$0x3FB9] =	sst s10  }
0x35: {  	s10 =	sld [smem:$0x3FB8];
	_ =	sdelay $0x3  }
0x36: {  	p1 =	seq.s32 s10, $0x1;
	s10 =	sld [smem:$0x3FB9];
	_ =	sdelay $0x3  }
0x37: {  	[smem:$0x3FB9] =	sst s10  }
0x38: {  	s10 =	sld [smem:$0x3FBA]  }
0x39: {  	_ = 	snop;
	(pc) =	sbr.ind lr, $3  }
0x3a: {  	_ = 	snop  }
0x3b: {  	_ = 	snop  }
0x3c: {  	p2 =	seq.s32 s10, $0x1;
	s10 =	sld [smem:$0x3FB9]  }
0x3d: {  	_ =	shalt  }
0x3e: {  	_ =	shalt  }
0x3f: {  	_ =	shalt  }
0x40: {  	_ =	shalt  }
0x41: {  	_ =	shalt  }
0x42: {  	_ =	shalt  }
0x43: {  	_ =	shalt  }
0x44: {  	_ =	shalt  }
0x45: {  	_ =	shalt  }
0x46: {  	_ =	shalt  }
0x47: {  	_ =	shalt  }
0x48: {  	_ =	shalt  }
0x49: {  	_ =	shalt  }
0x4a: {  	_ =	shalt  }
0x4b: {  	_ =	shalt  }
0x4c: {  	_ =	shalt  }
0x4d: {  	_ =	shalt  }
0x4e: {  	_ =	shalt  }
0x4f: {  	_ =	shalt  }
0x50: {  	_ =	shalt  }
0x51: {  	_ =	shalt  }
0x52: {  	_ =	shalt  }
0x53: {  	_ =	shalt  }
0x54: {  	_ =	shalt  }
0x55: {  	_ =	shalt  }
0x56: {  	_ =	shalt  }
0x57: {  	_ =	shalt  }
0x58: {  	_ =	shalt  }
0x59: {  	_ =	shalt  }
0x5a: {  	_ =	shalt  }
0x5b: {  	_ =	shalt  }
0x5c: {  	_ =	shalt  }
0x5d: {  	_ =	shalt  }
0x5e: {  	_ =	shalt  }
0x5f: {  	_ =	shalt  }
0x60: {  	_ =	shalt  }
0x61: {  	_ =	shalt  }
0x62: {  	_ =	shalt  }
0x63: {  	_ =	shalt  }
0x64: {  	_ =	shalt  }
0x65: {  	_ =	shalt  }
0x66: {  	_ =	shalt  }
0x67: {  	_ =	shalt  }
0x68: {  	_ =	shalt  }
0x69: {  	_ =	shalt  }
0x6a: {  	_ =	shalt  }
0x6b: {  	_ =	shalt  }
0x6c: {  	_ =	shalt  }
0x6d: {  	_ =	shalt  }
0x6e: {  	_ =	shalt  }
0x6f: {  	_ =	shalt  }
0x70: {  	_ =	shalt  }
0x71: {  	_ =	shalt  }
0x72: {  	_ =	shalt  }
0x73: {  	_ =	shalt  }
0x74: {  	_ =	shalt  }
0x75: {  	_ =	shalt  }
0x76: {  	_ =	shalt  }
0x77: {  	_ =	shalt  }
0x78: {  	_ =	shalt  }
0x79: {  	_ =	shalt  }
0x7a: {  	_ =	shalt  }
0x7b: {  	_ =	shalt  }
0x7c: {  	_ =	shalt  }
0x7d: {  	_ =	shalt  }
0x7e: {  	_ =	shalt  }
0x7f: {  	_ =	shalt  }
0x80: {  	_ =	shalt  }
0x81: {  	_ =	shalt  }
0x82: {  	_ =	shalt  }
0x83: {  	_ =	shalt  }
0x84: {  	_ =	shalt  }
0x85: {  	_ =	shalt  }
0x86: {  	_ =	shalt  }
0x87: {  	_ =	shalt  }
.Lfunc_end0:
.L_simem_size_0:
called_computation.1_lowered:
.L_overlay_start_0:
0x88: {  	s2 =	sld [smem:$0x3FD9]  }
0x89: {  	s3 =	sld [smem:$0x3FFE];
	_ =	sdelay $0x1  }
0x8a: {  	s1 =	srdreg.scid  }
0x8b: {  	s0 =	sand.u32 $0x1, s1  }
0x8c: {  	s17 =	sshll.u32 s0, $0xA;
	s2 =	sadd.s32 s3, s2  }
0x8d: {  	s2 =	sadd.s32 s2, s17  }
0x8e: {  	[smem:$0x3FC5] =	sst s2  }
0x8f: {  	_ = 	snop  }
0x90: {  	(tm) =	ssettm $0x1  }
0x91: {  	s18 =	sld [smem:$0x3FFB];
	_ =	sdelay $0x3  }
0x92: {  	_ =	strace s18  }
0x93: {  	s2 =	sld [smem:$0x3FFC];
	_ =	sdelay $0x3  }
0x94: {  	_ =	strace s2  }
0x95: {  	s2 =	sld [smem:$0x3FFD];
	_ =	sdelay $0x3  }
0x96: {  	_ =	strace s2  }
0x97: {  	_ =	strace $0x8FFFFFFF  }
0x98: {  	s19 =	sld [smem:$0x3FDB];
	_ =	sdelay $0x1  }
0x99: {  	s20 =	simm.s32 $_scs_section_size  }
0x9a: {  	s4 =	simm.s32 $_size__tile_overlayer_lowered;
	s5 =	simm.s32 $_tile_overlayer_lowered  }
0x9b: {  	s6 =	simm.s32 $0x1BFF;
	s21 =	sshll.u32 s5, $0x1;
	s3 =	sadd.s32 s20, s19  }
0x9c: {  	s22 =	simm.s32 $0x0;
	s4 =	sshll.u32 s4, $0x1;
	s5 =	sadd.s32 s21, s3  }
0x9d: {  	[timem:s22], [sflag:s6] =	dma.local [hbm:s5], s4  }
0x9e: {  	_ =	swait.ge [sflag:s6], s4  }
0x9f: {  	s4 =	ssub.s32 $0x0, s4;
	[sflag:s6] =	ssyncset.done $0x0  }
0xa0: {  	[sflag:s6] =	ssyncadd.s32 s4;
	_ =	sdelay $0x1  }
0xa1: {  	s23 =	simm.s32 $0x1B8B  }
0xa2: {  	_ =	swait.ge [sflag:s23], $0x1  }
0xa3: {  	[sflag:s23] =	ssyncset.done $0x0  }
0xa4: {  	[sflag:s23] =	ssyncadd.s32 $0xFFFFFFFF  }
0xa5: {  	s4 =	sld [smem:$0x0]  }
0xa6: {  	s5 =	sand.u32 $0xFFFFFFFE, s1  }
0xa7: {  	p0 =	sne.s32 s1, s5  }
0xa8: {  	s5 =	sshll.u32 @p0 s5, $0xE  }
0xa9: {  	s5 =	sadd.s32 @p0 $0x11B8D, s5;
	s6 =	sshll.u32 @p0 s4, $0x11  }
0xaa: {  	s5 =	sor.u32 @p0 s6, s5  }
0xab: {  	[sflag:s5] =	ssyncadd.remote.s32 @p0 $0x1;
	_ =	sdelay $0x1  }
0xac: {  	s5 =	simm.s32 @p0 $0x1B8D  }
0xad: {  	_ =	swait.eq @p0 [sflag:s5], $0x1  }
0xae: {  	[sflag:s5] =	ssyncadd.s32 @p0 $0xFFFFFFFF  }
0xaf: {  	s6 =	sshll.u32 @!p0 s1, $0xE  }
0xb0: {  	s6 =	sor.u32 @!p0 $0x4000, s6;
	s5 =	simm.s32 @!p0 $0x1B8D  }
0xb1: {  	s4 =	sshll.u32 @!p0 s4, $0x11;
	s6 =	sadd.s32 @!p0 $0x11B8D, s6;
	_ =	swait.eq @!p0 [sflag:s5], $0x1  }
0xb2: {  	s4 =	sor.u32 @!p0 s4, s6;
	[sflag:s5] =	ssyncadd.s32 @!p0 $0xFFFFFFFF  }
0xb3: {  	s25 =	simm.s32 $0x1B8E;
	s24 =	sld [smem:$0x3FFE];
	[sflag:s4] =	ssyncadd.remote.s32 @!p0 $0x1  }
0xb4: {  	s26 =	simm.s32 $execute0_lowered;
	[smem:$0x3FD2] =	sst s25  }
0xb5: {  	s5 =	sshll.u32 s26, $0x1;
	_ =	strace $0x80000049;
	[dreg:$0x1] =	wrdreg $0xFFFFFFFF  }
0xb6: {  	s28 =	simm.s32 $_size_execute0_lowered;
	s3 =	sadd.s32 s3, s5;
	[dreg:$0x0] =	wrdreg $0x0  }
0xb7: {  	s5 =	sshll.u32 s28, $0x1;
	[dreg:$0x2] =	wrdreg s3  }
0xb8: {  	[dreg:$0x3] =	wrdreg s5  }
0xb9: {  	[dreg:$0x4] =	wrdreg $0xC0  }
0xba: {  	_ =	task [dreg:s22], $0x5FFFF  }
0xbb: {  	[dreg:$0x1] =	wrdreg $0xFFFFFFFF  }
0xbc: {  	[dreg:$0x0] =	wrdreg $0x60  }
0xbd: {  	[dreg:$0x2] =	wrdreg s24  }
0xbe: {  	[dreg:$0x3] =	wrdreg $0xA  }
0xbf: {  	_ =	task.clear_ibuf [dreg:s22], $0x4FFFF;
	_ =	strace $0x90000049  }
0xc0: {  	s29 =	simm.s32 $0xA;
	_ =	strace $0x8000004B  }
0xc1: {  	_ =	swait.ge [sflag:s29], $0x1  }
0xc2: {  	[sflag:s29] =	ssyncadd.s32 $0xFFFFFFFF  }
0xc3: {  	_ =	strace $0x9000004B  }
0xc4: {  	_ =	sfence  }
0xc5: {  	s30 =	sld [smem:$0x0];
	_ =	sdelay $0x2  }
0xc6: {  	s31 =	sshll.u32 s1, $0xD;
	s1 =	sshrl.u32 s1, $0x2  }
0xc7: {  	s4 =	sand.u32 $0x4000, s31;
	s1 =	sadd.s32 s1, s30  }
0xc8: {  	s0 =	sor.u32 s4, s0;
	s1 =	sshll.u32 s1, $0x11  }
0xc9: {  	s0 =	sor.u32 s1, s0  }
0xca: {  	s0 =	sadd.s32 $0x8F2B, s0  }
0xcb: {  	[sflag:s0] =	ssyncadd.remote.s32 $0x1  }
0xcc: {  	_ =	sfence.sel $0xFFFF  }
0xcd: {  	[dreg:$0x0] =	wrdreg $0xFFFFFFFF;
	(pc) =	sbr.abs _section_cstart, $3  }
0xce: {  	[dreg:$0x1] =	wrdreg $0xFFFFFFFF  }
0xcf: {  	_ =	task.clear_ibuf [dreg:s22], $0x2FFFF;
	_ =	strace $0x9FFFFFFF  }
0xd0: {  	(tm) =	ssettm $0x7FFFFFFF  }
0xd1: {  	_ =	shalt  }
tec
execute0_lowered:
.L_overlay_start_1:
0x0: {  	(tag) =	ssettag $0x1  }
0x1: {  	s1 =	srdreg.scid  }
0x2: {  	s0 =	stileid.u32;
	s6 =	sand.u32 $0x1, s1  }
0x3: {  	s8 =	rddreg [dreg:$0x0];
	s30 =	sshll.u32 s0, $0x9;
	s2 =	sshll.u32 s6, $0x8  }
0x4: {  	s7 =	simm.s32 $0x1;
	s1 =	rddreg [dreg:$0x1];
	s9 =	sor.u32 s2, s30  }
0x5: {  	s5 =	sadd.s32 $0x22C00, s8;
	s2 =	simm.s32 $0x0;
	s3 =	sshrl.u32 s9, $0x3  }
0x6: {  	s10 =	ssub.s32 $0x2, s6;
	[smem:$0x7FF] =	sst s2;
	s3 =	sadd.s32 s3, s8  }
0x7: {  	_ =	strace $0x8000004A;
	s4 =	sadd.s32 $0x42C00, s3;
	s3 =	simm.s32 $0x2  }
0x8: {  	[tilespmem:s2], [sflag:$0x2] =	stream.linear.gather [hbm4b:s4+s2], $0x100, $0x38;
	[tilespmem:$0x8100] =	vst v63  }
0x9: {  	s6 =	simm.s32 $0x100;
	s11 =	sshrl.u32 s10, $0x1;
	_ =	swait.ge [sflag:s3], $0x100  }
0xa: {  	s9 =	sshll.u32 s9, $0x4;
	s31 =	ssub.s32 s10, s11;
	[sflag:s3] =	ssyncset.done $0x0  }
0xb: {  	s8 =	sadd.s32 s9, s8;
	s9 =	smax.u32 s31, $0x1;
	[sflag:s3] =	ssyncadd.s32 $0xFFFFFF00  }
0xc: {  	[tilespmem:s6], [sflag:$0x1] =	stream.indirect.gather [hbm4b:s5+s6], $0x80, s2, s6, $0xb8;
	[tilespmem:$0x8100] =	vst v63  }
0xd: {  	p0 =	sne.s32 s9, $0x1;
	_ =	swait.ge [sflag:s7], $0x8000  }
.Ltmp0:
0xe: {  	[sflag:s7] =	ssyncset.done $0x0;
	(pc) =	sbr.rel @!p0 .LBB2_2-.Ltmp0, $4  }
0xf: {  	s8 =	sadd.s32 $0x43000, s8;
	[sflag:s7] =	ssyncadd.s32 $0xFFFF8000  }
0x10: {  	[hbm4b:s8+s2] =	stream.linear.scatter [tilespmem:s6], [sflag:$0x2], $0x8000, $0x38;
	[tilespmem:$0x8100] =	vst v63  }
0x11: {  	_ =	swait.ge [sflag:s3], $0x8000  }
0x12: {  	s9 =	sadd.s32 $0xFFFFFFFF, s9;
	[sflag:s3] =	ssyncset.done $0x0  }
.LBB2_1:
0x13: {  	p0 =	sne.s32 s9, $0x1;
	s9 =	sadd.s32 $0xFFFFFFFF, s9;
	[sflag:s3] =	ssyncadd.s32 $0xFFFF8000  }
0x14: {  	[tilespmem:s2], [sflag:$0x2] =	stream.linear.gather [hbm4b:s4+s2], $0x100, $0x38;
	[tilespmem:$0x8100] =	vst v63  }
0x15: {  	_ =	swait.ge [sflag:s3], $0x100  }
0x16: {  	[sflag:s3] =	ssyncset.done $0x0  }
0x17: {  	[sflag:s3] =	ssyncadd.s32 $0xFFFFFF00  }
0x18: {  	[tilespmem:s6], [sflag:$0x1] =	stream.indirect.gather [hbm4b:s5+s6], $0x80, s2, s6, $0xb8;
	[tilespmem:$0x8100] =	vst v63  }
0x19: {  	_ =	swait.ge [sflag:s7], $0x8000  }
.Ltmp1:
0x1a: {  	[sflag:s7] =	ssyncset.done $0x0;
	(pc) =	sbr.rel @p0 .LBB2_1-.Ltmp1, $4  }
0x1b: {  	[sflag:s7] =	ssyncadd.s32 $0xFFFF8000  }
0x1c: {  	[hbm4b:s8+s2] =	stream.linear.scatter [tilespmem:s6], [sflag:$0x2], $0x8000, $0x38;
	[tilespmem:$0x8100] =	vst v63  }
0x1d: {  	_ =	swait.ge [sflag:s3], $0x8000  }
0x1e: {  	[sflag:s3] =	ssyncset.done $0x0  }
.LBB2_2:
0x1f: {  	[sflag:s3] =	ssyncadd.s32 $0xFFFF8000  }
0x20: {  	_ =	sfence.sel $0x180000  }
0x21: {  	[bflag:$0x0] =	sbarrier.arrive $0xFFFF  }
0x22: {  	p0 =	sne.s32 s0, $0x0;
	_ =	strace $0x9000004A  }
0x23: {  	s0 =	sadd.s32 @!p0 $0x100000, s1;
	[bflag:$0x2] =	sbarrier.arrive $0xFFFF  }
0x24: {  	[sflag:s0] =	ssyncadd.tile.s32 @!p0 $0x1;
	_ =	shalt  }
.Lfunc_end2:
_tile_overlayer_lowered:
.L_overlay_start_2:
0x25: {  	(tag) =	ssettag $0x2  }
0x26: {  	s0 =	rddreg [dreg:$0x0];
	s2 =	stileid.u32  }
0x27: {  	s1 =	rddreg [dreg:$0x1];
	p0 =	sne.s32 s2, $0x0  }
0x28: {  	s3 =	rddreg [dreg:$0x2];
	[bflag:$0x3] =	sbarrier.arrive $0xFFFF;
	s2 =	simm.s32 @!p0 $0x1C02  }
0x29: {  	[timem:s3], [sflag:s2] =	dma.local @!p0 [hbm:s0], s1  }
0x2a: {  	s0 =	simm.s32 @!p0 $0x2  }
0x2b: {  	_ =	swait.ge @!p0 [sflag:s0], s1  }
0x2c: {  	s1 =	ssub.s32 @!p0 $0x0, s1;
	[sflag:s0] =	ssyncset.done @!p0 $0x0  }
0x2d: {  	[sflag:s0] =	ssyncadd.s32 @!p0 s1  }
0x2e: {  	[bflag:$0x3] =	sbarrier.arrive $0xFFFF  }
0x2f: {  	_ =	shalt  }

// kernel: kernel.8.cloned.1.call-start
scs
__scs_entry_jumppad:
0x0: {  	(pc) =	sbr.rel $0x88, $3  }
0x1: {  	(tag) =	ssettag $0x0;
	lr =	simm.s32 $0x1  }
0x2: {  	[smem:$0x3F9E] =	sst lr;
	_ =	strace $0xD0000000  }
0x3: {  	_ = 	snop  }
0x4: {  	_ = 	snop  }
0x5: {  	_ = 	snop  }
0x6: {  	_ = 	snop  }
0x7: {  	_ = 	snop  }
__scs_overlays_trampoline_lowered:
0x8: {  	[smem:$0x3FAD] =	sst s0  }
0x9: {  	[smem:$0x3FAE] =	sst s1  }
0xa: {  	[smem:$0x3FAF] =	sst s2  }
0xb: {  	[smem:$0x3FB0] =	sst s3  }
0xc: {  	[smem:$0x3FB1] =	sst s4  }
0xd: {  	[smem:$0x3FB2] =	sst s5  }
0xe: {  	[smem:$0x3FB3] =	sst s6  }
0xf: {  	[smem:$0x3FB4] =	sst s7  }
0x10: {  	[smem:$0x3FB5] =	sst s8  }
0x11: {  	[smem:$0x3FB6] =	sst s9;
	s0 =	simm.s32 @!p0 $0x0  }
0x12: {  	s1 =	sld [smem:$0x3F9C];
	s0 =	simm.s32 @p0 $0x1  }
0x13: {  	[smem:$0x3FB7] =	sst s0;
	s0 =	simm.s32 @!p1 $0x0  }
0x14: {  	s2 =	sld [smem:$0x3F9B];
	s0 =	simm.s32 @p1 $0x1  }
0x15: {  	[smem:$0x3FB8] =	sst s0;
	s0 =	simm.s32 @!p2 $0x0  }
0x16: {  	s3 =	sld [smem:$0x3FDB];
	s0 =	simm.s32 @p2 $0x1  }
0x17: {  	s4 =	simm.s32 $0x1BF5;
	[smem:$0x3FBA] =	sst s0  }
0x18: {  	s0 =	sld [smem:$0x3F9D];
	_ =	swait.ge [sflag:s4], $0x0  }
0x19: {  	s7 =	sld [smem:$0x3F9E]  }
0x1a: {  	s8 =	sadd.s32 $0xFFFFE003, lr  }
0x1b: {  	s9 =	sadd.s32 $0xFFFFFEF7, lr;
	s5 =	simm.s32 $0xFFFFFFFF;
	p2 =	slt.u32 s8, $0xFFFFF086  }
0x1c: {  	p1 =	slt.u32 s9, $0xF7A;
	s5 =	simm.s32 @!p2 $0x0  }
0x1d: {  	s5 =	simm.s32 @p1 $0x1;
	p0 =	seq.s32 s7, s2  }
0x1e: {  	s7 =	smul.u32 @!p0 $0xF7A, s2;
	p2 =	seq.s32 @!p0 s5, $0x0  }
0x1f: {  	s9 =	smul.u32 $0xF7A, s1;
	s8 =	simm.s32 @!p0 $0x1BF5;
	p2 =	por !p2, p0  }
0x20: {  	[sflag:s8] =	ssyncset.s32 @!p0 $0xFFFFF086;
	s6 =	sadd.s32 @!p0 s3, s7;
	s7 =	simm.s32 @!p0 $0x108  }
0x21: {  	s3 =	sadd.s32 s3, s9;
	s6 =	sadd.s32 @!p0 $0x88, s6;
	s7 =	simm.s32 @p2 $0x1082  }
0x22: {  	[simem:s7], [sflag:s8] =	dma.local @!p0 [hbm:s6], $0xF7A  }
0x23: {  	s9 =	sor.u32 $0xD0000000, s2;
	s6 =	simm.s32 $0x108;
	_ =	swait.ge @!p0 [sflag:s8], $0x0  }
0x24: {  	s3 =	sadd.s32 $0x88, s3;
	s6 =	simm.s32 @!p1 $0x1082;
	[sflag:s4] =	ssyncset.s32 $0xFFFFF086  }
0x25: {  	[simem:s6], [sflag:s4] =	dma.local [hbm:s3], $0xF7A  }
0x26: {  	[smem:$0x3F9E] =	sst s1;
	(tag) =	ssettag s2;
	_ =	strace s9  }
0x27: {  	s1 =	sld [smem:$0x3FAE]  }
0x28: {  	s2 =	sld [smem:$0x3FAF]  }
0x29: {  	s4 =	sld [smem:$0x3FB1]  }
0x2a: {  	p0 =	seq.s32 s5, $0x0;
	s5 =	sld [smem:$0x3FB2]  }
0x2b: {  	s6 =	sld [smem:$0x3FB3]  }
0x2c: {  	s7 =	sld [smem:$0x3FB4]  }
0x2d: {  	s3 =	simm.s32 $0x108;
	s8 =	sld [smem:$0x3FB5]  }
0x2e: {  	s3 =	simm.s32 @!p0 $0x1082;
	s9 =	sld [smem:$0x3FB6]  }
0x2f: {  	lr =	sadd.s32 s0, s3;
	s0 =	sld [smem:$0x3FAD]  }
0x30: {  	s3 =	sld [smem:$0x3FB0]  }
0x31: {  	[smem:$0x3FB9] =	sst s10  }
0x32: {  	s10 =	sld [smem:$0x3FB7];
	_ =	sdelay $0x3  }
0x33: {  	p0 =	seq.s32 s10, $0x1;
	s10 =	sld [smem:$0x3FB9];
	_ =	sdelay $0x3  }
0x34: {  	[smem:$0x3FB9] =	sst s10  }
0x35: {  	s10 =	sld [smem:$0x3FB8];
	_ =	sdelay $0x3  }
0x36: {  	p1 =	seq.s32 s10, $0x1;
	s10 =	sld [smem:$0x3FB9];
	_ =	sdelay $0x3  }
0x37: {  	[smem:$0x3FB9] =	sst s10  }
0x38: {  	s10 =	sld [smem:$0x3FBA]  }
0x39: {  	_ = 	snop;
	(pc) =	sbr.ind lr, $3  }
0x3a: {  	_ = 	snop  }
0x3b: {  	_ = 	snop  }
0x3c: {  	p2 =	seq.s32 s10, $0x1;
	s10 =	sld [smem:$0x3FB9]  }
0x3d: {  	_ =	shalt  }
0x3e: {  	_ =	shalt  }
0x3f: {  	_ =	shalt  }
0x40: {  	_ =	shalt  }
0x41: {  	_ =	shalt  }
0x42: {  	_ =	shalt  }
0x43: {  	_ =	shalt  }
0x44: {  	_ =	shalt  }
0x45: {  	_ =	shalt  }
0x46: {  	_ =	shalt  }
0x47: {  	_ =	shalt  }
0x48: {  	_ =	shalt  }
0x49: {  	_ =	shalt  }
0x4a: {  	_ =	shalt  }
0x4b: {  	_ =	shalt  }
0x4c: {  	_ =	shalt  }
0x4d: {  	_ =	shalt  }
0x4e: {  	_ =	shalt  }
0x4f: {  	_ =	shalt  }
0x50: {  	_ =	shalt  }
0x51: {  	_ =	shalt  }
0x52: {  	_ =	shalt  }
0x53: {  	_ =	shalt  }
0x54: {  	_ =	shalt  }
0x55: {  	_ =	shalt  }
0x56: {  	_ =	shalt  }
0x57: {  	_ =	shalt  }
0x58: {  	_ =	shalt  }
0x59: {  	_ =	shalt  }
0x5a: {  	_ =	shalt  }
0x5b: {  	_ =	shalt  }
0x5c: {  	_ =	shalt  }
0x5d: {  	_ =	shalt  }
0x5e: {  	_ =	shalt  }
0x5f: {  	_ =	shalt  }
0x60: {  	_ =	shalt  }
0x61: {  	_ =	shalt  }
0x62: {  	_ =	shalt  }
0x63: {  	_ =	shalt  }
0x64: {  	_ =	shalt  }
0x65: {  	_ =	shalt  }
0x66: {  	_ =	shalt  }
0x67: {  	_ =	shalt  }
0x68: {  	_ =	shalt  }
0x69: {  	_ =	shalt  }
0x6a: {  	_ =	shalt  }
0x6b: {  	_ =	shalt  }
0x6c: {  	_ =	shalt  }
0x6d: {  	_ =	shalt  }
0x6e: {  	_ =	shalt  }
0x6f: {  	_ =	shalt  }
0x70: {  	_ =	shalt  }
0x71: {  	_ =	shalt  }
0x72: {  	_ =	shalt  }
0x73: {  	_ =	shalt  }
0x74: {  	_ =	shalt  }
0x75: {  	_ =	shalt  }
0x76: {  	_ =	shalt  }
0x77: {  	_ =	shalt  }
0x78: {  	_ =	shalt  }
0x79: {  	_ =	shalt  }
0x7a: {  	_ =	shalt  }
0x7b: {  	_ =	shalt  }
0x7c: {  	_ =	shalt  }
0x7d: {  	_ =	shalt  }
0x7e: {  	_ =	shalt  }
0x7f: {  	_ =	shalt  }
0x80: {  	_ =	shalt  }
0x81: {  	_ =	shalt  }
0x82: {  	_ =	shalt  }
0x83: {  	_ =	shalt  }
0x84: {  	_ =	shalt  }
0x85: {  	_ =	shalt  }
0x86: {  	_ =	shalt  }
0x87: {  	_ =	shalt  }
.Lfunc_end0:
.L_simem_size_0:
called_computation_lowered:
.L_overlay_start_0:
0x88: {  	s2 =	sld [smem:$0x3FD9]  }
0x89: {  	s3 =	sld [smem:$0x3FFE];
	_ =	sdelay $0x1  }
0x8a: {  	s1 =	srdreg.scid  }
0x8b: {  	s0 =	sand.u32 $0x1, s1  }
0x8c: {  	s17 =	sshll.u32 s0, $0xA;
	s2 =	sadd.s32 s3, s2  }
0x8d: {  	s2 =	sadd.s32 s2, s17  }
0x8e: {  	[smem:$0x3FC5] =	sst s2  }
0x8f: {  	_ = 	snop  }
0x90: {  	s2 =	sld [smem:$0x3FD0];
	(tm) =	ssettm $0x1  }
0x91: {  	s18 =	sld [smem:$0x3FFB];
	_ =	sdelay $0x3  }
0x92: {  	_ =	strace s18  }
0x93: {  	s3 =	sld [smem:$0x3FFC];
	_ =	sdelay $0x3  }
0x94: {  	_ =	strace s3  }
0x95: {  	s3 =	sld [smem:$0x3FFD];
	_ =	sdelay $0x3  }
0x96: {  	_ =	strace s3  }
0x97: {  	_ =	strace $0x8FFFFFFF  }
0x98: {  	s19 =	sld [smem:$0x3FDB];
	_ =	sdelay $0x1  }
0x99: {  	s4 =	simm.s32 $_scs_section_size  }
0x9a: {  	s5 =	simm.s32 $_size__tile_overlayer_lowered;
	s6 =	simm.s32 $_tile_overlayer_lowered  }
0x9b: {  	s22 =	simm.s32 $0x1BFF;
	s21 =	sshll.u32 s6, $0x1;
	s3 =	sadd.s32 s4, s19  }
0x9c: {  	s7 =	simm.s32 $0x0;
	s20 =	sshll.u32 s5, $0x1;
	s5 =	sadd.s32 s21, s3  }
0x9d: {  	[timem:s7], [sflag:s22] =	dma.local [hbm:s5], s20  }
0x9e: {  	_ =	swait.ge [sflag:s22], s20  }
0x9f: {  	s4 =	ssub.s32 $0x0, s20;
	[sflag:s22] =	ssyncset.done $0x0  }
0xa0: {  	[sflag:s22] =	ssyncadd.s32 s4;
	_ =	sdelay $0x1  }
0xa1: {  	s23 =	simm.s32 $0x1B8B  }
0xa2: {  	_ =	swait.ge [sflag:s23], $0x1  }
0xa3: {  	[sflag:s23] =	ssyncset.done $0x0  }
0xa4: {  	s25 =	simm.s32 $0x1B8E;
	s24 =	sld [smem:$0x3FFE];
	[sflag:s23] =	ssyncadd.s32 $0xFFFFFFFF  }
0xa5: {  	s26 =	simm.s32 $execute0_lowered;
	[smem:$0x3FD2] =	sst s25  }
0xa6: {  	s5 =	sshll.u32 s26, $0x1;
	_ =	strace $0x80000046;
	[dreg:$0x1] =	wrdreg $0xFFFFFFFF  }
0xa7: {  	s28 =	simm.s32 $_size_execute0_lowered;
	s3 =	sadd.s32 s3, s5;
	[dreg:$0x0] =	wrdreg $0x0  }
0xa8: {  	s5 =	sshll.u32 s28, $0x1;
	[dreg:$0x2] =	wrdreg s3  }
0xa9: {  	[dreg:$0x3] =	wrdreg s5  }
0xaa: {  	[dreg:$0x4] =	wrdreg $0xC0  }
0xab: {  	_ =	task [dreg:s7], $0x5FFFF  }
0xac: {  	[dreg:$0x1] =	wrdreg $0xFFFFFFFF  }
0xad: {  	[dreg:$0x0] =	wrdreg $0x60  }
0xae: {  	[dreg:$0x2] =	wrdreg s2  }
0xaf: {  	[dreg:$0x3] =	wrdreg s24  }
0xb0: {  	[dreg:$0x4] =	wrdreg $0x9  }
0xb1: {  	_ =	task.clear_ibuf [dreg:s7], $0x5FFFF;
	_ =	strace $0x90000046  }
0xb2: {  	s29 =	simm.s32 $0x9;
	_ =	strace $0x80000048  }
0xb3: {  	_ =	swait.ge [sflag:s29], $0x1  }
0xb4: {  	[sflag:s29] =	ssyncadd.s32 $0xFFFFFFFF  }
0xb5: {  	_ =	strace $0x90000048  }
0xb6: {  	_ =	sfence  }
0xb7: {  	s30 =	sld [smem:$0x0];
	_ =	sdelay $0x2  }
0xb8: {  	s31 =	sshll.u32 s1, $0xD;
	s1 =	sshrl.u32 s1, $0x2  }
0xb9: {  	s3 =	sand.u32 $0x4000, s31;
	s1 =	sadd.s32 s1, s30  }
0xba: {  	s0 =	sor.u32 s3, s0;
	s1 =	sshll.u32 s1, $0x11  }
0xbb: {  	s0 =	sor.u32 s1, s0  }
0xbc: {  	s0 =	sadd.s32 $0x8F2B, s0  }
0xbd: {  	[sflag:s0] =	ssyncadd.remote.s32 $0x1  }
0xbe: {  	_ =	sfence.sel $0xFFFF  }
0xbf: {  	[dreg:$0x0] =	wrdreg $0xFFFFFFFF;
	(pc) =	sbr.abs _section_cstart, $3  }
0xc0: {  	[dreg:$0x1] =	wrdreg $0xFFFFFFFF  }
0xc1: {  	_ =	task.clear_ibuf [dreg:s7], $0x2FFFF;
	_ =	strace $0x9FFFFFFF  }
0xc2: {  	(tm) =	ssettm $0x7FFFFFFF  }
0xc3: {  	_ =	shalt  }
tec
execute0_lowered:
.L_overlay_start_1:
0x0: {  	(tag) =	ssettag $0x1  }
0x1: {  	s1 =	srdreg.scid  }
0x2: {  	s0 =	stileid.u32;
	s6 =	sand.u32 $0x1, s1  }
0x3: {  	s2 =	rddreg [dreg:$0x0];
	s30 =	sshll.u32 s0, $0x9;
	s3 =	sshll.u32 s6, $0x8  }
0x4: {  	s8 =	rddreg [dreg:$0x1];
	s7 =	simm.s32 $0x1;
	s9 =	sor.u32 s3, s30  }
0x5: {  	s1 =	rddreg [dreg:$0x2];
	s3 =	simm.s32 $0x0;
	s4 =	sshrl.u32 s9, $0x3  }
0x6: {  	s10 =	ssub.s32 $0x2, s6;
	[smem:$0x7FF] =	sst s3;
	s4 =	sadd.s32 s4, s8  }
0x7: {  	_ =	strace $0x80000047;
	s5 =	sadd.s32 $0x2800, s4;
	s4 =	simm.s32 $0x2  }
0x8: {  	[tilespmem:s3], [sflag:$0x2] =	stream.linear.gather [hbm4b:s5+s3], $0x100, $0x38;
	[tilespmem:$0x8100] =	vst v63  }
0x9: {  	s6 =	simm.s32 $0x100;
	s11 =	sshrl.u32 s10, $0x1;
	_ =	swait.ge [sflag:s4], $0x100  }
0xa: {  	s9 =	sshll.u32 s9, $0x4;
	s31 =	ssub.s32 s10, s11;
	[sflag:s4] =	ssyncset.done $0x0  }
0xb: {  	s8 =	sadd.s32 s9, s8;
	s9 =	smax.u32 s31, $0x1;
	[sflag:s4] =	ssyncadd.s32 $0xFFFFFF00  }
0xc: {  	[tilespmem:s6], [sflag:$0x1] =	stream.indirect.gather [hbm4b:s2+s6], $0x80, s3, s6, $0xb8;
	[tilespmem:$0x8100] =	vst v63  }
0xd: {  	p0 =	sne.s32 s9, $0x1;
	_ =	swait.ge [sflag:s7], $0x8000  }
.Ltmp0:
0xe: {  	[sflag:s7] =	ssyncset.done $0x0;
	(pc) =	sbr.rel @!p0 .LBB2_2-.Ltmp0, $4  }
0xf: {  	s8 =	sadd.s32 $0x2C00, s8;
	[sflag:s7] =	ssyncadd.s32 $0xFFFF8000  }
0x10: {  	[hbm4b:s8+s3] =	stream.linear.scatter [tilespmem:s6], [sflag:$0x2], $0x8000, $0x38;
	[tilespmem:$0x8100] =	vst v63  }
0x11: {  	_ =	swait.ge [sflag:s4], $0x8000  }
0x12: {  	s9 =	sadd.s32 $0xFFFFFFFF, s9;
	[sflag:s4] =	ssyncset.done $0x0  }
.LBB2_1:
0x13: {  	p0 =	sne.s32 s9, $0x1;
	s9 =	sadd.s32 $0xFFFFFFFF, s9;
	[sflag:s4] =	ssyncadd.s32 $0xFFFF8000  }
0x14: {  	[tilespmem:s3], [sflag:$0x2] =	stream.linear.gather [hbm4b:s5+s3], $0x100, $0x38;
	[tilespmem:$0x8100] =	vst v63  }
0x15: {  	_ =	swait.ge [sflag:s4], $0x100  }
0x16: {  	[sflag:s4] =	ssyncset.done $0x0  }
0x17: {  	[sflag:s4] =	ssyncadd.s32 $0xFFFFFF00  }
0x18: {  	[tilespmem:s6], [sflag:$0x1] =	stream.indirect.gather [hbm4b:s2+s6], $0x80, s3, s6, $0xb8;
	[tilespmem:$0x8100] =	vst v63  }
0x19: {  	_ =	swait.ge [sflag:s7], $0x8000  }
.Ltmp1:
0x1a: {  	[sflag:s7] =	ssyncset.done $0x0;
	(pc) =	sbr.rel @p0 .LBB2_1-.Ltmp1, $4  }
0x1b: {  	[sflag:s7] =	ssyncadd.s32 $0xFFFF8000  }
0x1c: {  	[hbm4b:s8+s3] =	stream.linear.scatter [tilespmem:s6], [sflag:$0x2], $0x8000, $0x38;
	[tilespmem:$0x8100] =	vst v63  }
0x1d: {  	_ =	swait.ge [sflag:s4], $0x8000  }
0x1e: {  	[sflag:s4] =	ssyncset.done $0x0  }
.LBB2_2:
0x1f: {  	[sflag:s4] =	ssyncadd.s32 $0xFFFF8000  }
0x20: {  	_ =	sfence.sel $0x180000  }
0x21: {  	[bflag:$0x0] =	sbarrier.arrive $0xFFFF  }
0x22: {  	p0 =	sne.s32 s0, $0x0;
	_ =	strace $0x90000047  }
0x23: {  	s0 =	sadd.s32 @!p0 $0x100000, s1;
	[bflag:$0x2] =	sbarrier.arrive $0xFFFF  }
0x24: {  	[sflag:s0] =	ssyncadd.tile.s32 @!p0 $0x1;
	_ =	shalt  }
.Lfunc_end2:
_tile_overlayer_lowered:
.L_overlay_start_2:
0x25: {  	(tag) =	ssettag $0x2  }
0x26: {  	s0 =	rddreg [dreg:$0x0];
	s2 =	stileid.u32  }
0x27: {  	s1 =	rddreg [dreg:$0x1];
	p0 =	sne.s32 s2, $0x0  }
0x28: {  	s3 =	rddreg [dreg:$0x2];
	[bflag:$0x3] =	sbarrier.arrive $0xFFFF;
	s2 =	simm.s32 @!p0 $0x1C02  }
0x29: {  	[timem:s3], [sflag:s2] =	dma.local @!p0 [hbm:s0], s1  }
0x2a: {  	s0 =	simm.s32 @!p0 $0x2  }
0x2b: {  	_ =	swait.ge @!p0 [sflag:s0], s1  }
0x2c: {  	s1 =	ssub.s32 @!p0 $0x0, s1;
	[sflag:s0] =	ssyncset.done @!p0 $0x0  }
0x2d: {  	[sflag:s0] =	ssyncadd.s32 @!p0 s1  }
0x2e: {  	[bflag:$0x3] =	sbarrier.arrive $0xFFFF  }
0x2f: {  	_ =	shalt  }

</sc_bundles>
